<compile_context>
chip_gen: v7x
topology: tpu7x:2x2x1
jax: 0.10.2.dev20260603
libtpu: 0.0.44.dev20260713+nightly
codegen_flags: <defaults>
</compile_context>

<pallas_src>
import functools

import jax
import jax.numpy as jnp
from jax import lax
from jax.experimental import pallas as pl
from jax.experimental.pallas import tpu as pltpu
from jax.experimental.pallas import tpu_sc as plsc

_B, _N, _M = 4, 8192, 2048
_C1, _C2 = 64, 128
_C_OUT = 128
_TILE = 1024
_BN = _B * _N
_BIGF = 3.0e38

_NC, _NS = 2, 16
_NW = _NC * _NS
_QW = _N // _NW
_S = 128

_TILE_C = 512
_TILE_D = 2048


def _knn_body(u_ref, k_ref, idx_ref, w_ref):
    u = u_ref[...]
    kn = k_ref[...]

    k2row = jnp.sum(kn * kn, axis=0, keepdims=True)
    u2 = 0.25 * jnp.sum(u * u, axis=1, keepdims=True) - 0.25
    cross2 = jnp.dot(u, kn, preferred_element_type=jnp.float32)
    e2 = jnp.maximum(u2 + (cross2 + k2row), 0.0)

    colf = jax.lax.broadcasted_iota(
        jnp.int32, (_TILE, _M), 1).astype(jnp.float32)
    bigf = jnp.float32(_BIGF)

    def extract(cur):
        v = jnp.min(cur, axis=1, keepdims=True)
        i = jnp.min(jnp.where(cur == v, colf, bigf), axis=1, keepdims=True)
        return v, i, colf == i

    v1, i1, eq1 = extract(e2)
    cur = jnp.where(eq1, bigf, e2)
    v2, i2, eq2 = extract(cur)
    cur = jnp.where(eq2, bigf, cur)
    v3, i3, _ = extract(cur)

    r1 = 1.0 / (v1 + 1e-8)
    r2 = 1.0 / (v2 + 1e-8)
    r3 = 1.0 / (v3 + 1e-8)
    norm = r1 + r2 + r3

    idx_ref[...] = jnp.concatenate([i1, i2, i3], axis=1).astype(jnp.int32)
    w_ref[...] = jnp.concatenate(
        [r1 / norm, r2 / norm, r3 / norm], axis=1)


def _sc_gather_body(idx_hbm, tab_hbm, out_hbm, idx_v, rows_v, sem):
    wid = lax.axis_index("s") * _NC + lax.axis_index("c")
    base = wid * _QW

    def chunk(ci, carry):
        qb = base + ci * _S
        for k in range(3):
            pltpu.sync_copy(idx_hbm.at[pl.ds(k * _N + qb, _S)], idx_v)
            pltpu.async_copy(tab_hbm.at[idx_v], rows_v, sem).wait()
            pltpu.sync_copy(rows_v, out_hbm.at[pl.ds(k * _N + qb, _S)])
        return carry

    lax.fori_loop(0, _QW // _S, chunk, 0)


_sc_gather = functools.partial(
    pl.kernel,
    out_type=jax.ShapeDtypeStruct((3 * _N, _C2), jnp.float32),
    mesh=plsc.VectorSubcoreMesh(core_axis_name="c", subcore_axis_name="s"),
    scratch_types=[
        pltpu.VMEM((_S,), jnp.int32),
        pltpu.VMEM((_S, _C2), jnp.float32),
        pltpu.SemaphoreType.DMA,
    ],
)(_sc_gather_body)


def _mlp_body(r0_ref, r1_ref, r2_ref, w_ref, uf_ref, wa_ref, wb_ref,
              y_ref, acc_ref):
    w = w_ref[...]
    interp = (w[:, 0:1] * r0_ref[...] + w[:, 1:2] * r1_ref[...]
              + w[:, 2:3] * r2_ref[...])
    y = (jnp.dot(interp, wa_ref[...], preferred_element_type=jnp.float32)
         + jnp.dot(uf_ref[...], wb_ref[...],
                   preferred_element_type=jnp.float32))
    y_ref[...] = y

    s = jnp.sum(y, axis=0, keepdims=True)
    s2 = jnp.sum(y * y, axis=0, keepdims=True)
    rowi = jax.lax.broadcasted_iota(jnp.int32, (8, _C_OUT), 0)
    contrib = (jnp.where(rowi == 0, jnp.broadcast_to(s, (8, _C_OUT)), 0.0)
               + jnp.where(rowi == 1, jnp.broadcast_to(s2, (8, _C_OUT)), 0.0))

    @pl.when(pl.program_id(0) == 0)
    def _():
        acc_ref[...] = jnp.zeros_like(acc_ref)

    acc_ref[...] += contrib


def _bn_body(y_ref, acc_ref, gamma_ref, beta_ref, out_ref):
    s = acc_ref[0:1, :]
    s2 = acc_ref[1:2, :]
    cnt = jnp.float32(_BN)
    mean = s / cnt
    var = s2 / cnt - mean * mean
    scale = gamma_ref[...] * jax.lax.rsqrt(var + 1e-5)
    shift = beta_ref[...] - mean * scale
    out_ref[...] = jnp.maximum(y_ref[...] * scale + shift, 0.0)


def kernel(unknown, known, unknow_feats, known_feats, W0, gamma0, beta0):
    ones_u = jnp.ones((_B, _N, 1), jnp.float32)
    pad_u = jnp.zeros((_B, _N, 4), jnp.float32)
    ub = jnp.concatenate([-2.0 * unknown, ones_u, pad_u], axis=2)
    kt = jnp.transpose(known, (0, 2, 1))
    pad_k = jnp.zeros((_B, 5, _M), jnp.float32)
    kb = jnp.concatenate([kt, pad_k], axis=1)
    kf_t = jnp.transpose(known_feats, (0, 2, 1))
    uf_t = jnp.transpose(unknow_feats, (0, 2, 1))
    wa = jnp.transpose(W0[:, :_C2])
    wb = jnp.transpose(W0[:, _C2:])

    nb = _N // _TILE_C
    rows_b, w_b, ybn_b, acc_b = [], [], [], []
    for b in range(_B):
        idx3, w3 = pl.pallas_call(
            _knn_body,
            grid=(_N // _TILE,),
            in_specs=[
                pl.BlockSpec((_TILE, 8), lambda t: (t, 0)),
                pl.BlockSpec((8, _M), lambda t: (0, 0)),
            ],
            out_specs=[
                pl.BlockSpec((_TILE, 3), lambda t: (t, 0)),
                pl.BlockSpec((_TILE, 3), lambda t: (t, 0)),
            ],
            out_shape=[
                jax.ShapeDtypeStruct((_N, 3), jnp.int32),
                jax.ShapeDtypeStruct((_N, 3), jnp.float32),
            ],
        )(ub[b], kb[b])

        idx_planes = jnp.transpose(idx3).reshape(3 * _N)
        rows_b.append(_sc_gather(idx_planes, kf_t[b]))
        w_b.append(w3)

    for b in range(_B):
        ybn, acc = pl.pallas_call(
            _mlp_body,
            grid=(nb,),
            in_specs=[
                pl.BlockSpec((_TILE_C, _C2), lambda t: (t, 0)),
                pl.BlockSpec((_TILE_C, _C2), lambda t: (t + nb, 0)),
                pl.BlockSpec((_TILE_C, _C2), lambda t: (t + 2 * nb, 0)),
                pl.BlockSpec((_TILE_C, 3), lambda t: (t, 0)),
                pl.BlockSpec((_TILE_C, _C1), lambda t: (t, 0)),
                pl.BlockSpec((_C2, _C_OUT), lambda t: (0, 0)),
                pl.BlockSpec((_C1, _C_OUT), lambda t: (0, 0)),
            ],
            out_specs=[
                pl.BlockSpec((_TILE_C, _C_OUT), lambda t: (t, 0)),
                pl.BlockSpec((8, _C_OUT), lambda t: (0, 0)),
            ],
            out_shape=[
                jax.ShapeDtypeStruct((_N, _C_OUT), jnp.float32),
                jax.ShapeDtypeStruct((8, _C_OUT), jnp.float32),
            ],
        )(rows_b[b], rows_b[b], rows_b[b], w_b[b], uf_t[b], wa, wb)
        ybn_b.append(ybn)
        acc_b.append(acc)

    acc = acc_b[0] + acc_b[1] + acc_b[2] + acc_b[3]
    g2 = gamma0.reshape(1, _C_OUT)
    b2 = beta0.reshape(1, _C_OUT)

    out_b = []
    for b in range(_B):
        out_b.append(pl.pallas_call(
            _bn_body,
            grid=(_N // _TILE_D,),
            in_specs=[
                pl.BlockSpec((_TILE_D, _C_OUT), lambda t: (t, 0)),
                pl.BlockSpec((8, _C_OUT), lambda t: (0, 0)),
                pl.BlockSpec((1, _C_OUT), lambda t: (0, 0)),
                pl.BlockSpec((1, _C_OUT), lambda t: (0, 0)),
            ],
            out_specs=pl.BlockSpec((_TILE_D, _C_OUT), lambda t: (t, 0)),
            out_shape=jax.ShapeDtypeStruct((_N, _C_OUT), jnp.float32),
        )(ybn_b[b], acc, g2, b2))

    out = jnp.stack(out_b)
    return jnp.transpose(out, (0, 2, 1))

# --- scband reference (transcript-rebuilt; emitter-appended) ---
"""Pipeline reference for scband-pointnet-fpmodule-17841294147729 (READ-ONLY COPY).

The authoritative reference and input builder live on the scoring server;
editing this copy changes nothing except your own understanding.
"""

import jax, jax.numpy as jnp
import numpy as np

B, N, M = 4, 8192, 2048
C1, C2 = 64, 128
C_IN, C_OUT = C2 + C1, 128


def setup_inputs(seed: int = 0) -> dict:
    key = jax.random.key(seed)
    k1, k2, k3, k4, k5 = jax.random.split(key, 5)
    unknown = jax.random.uniform(k1, (B, N, 3), dtype=jnp.float32)
    known = jax.random.uniform(k2, (B, M, 3), dtype=jnp.float32)
    unknow_feats = jax.random.normal(k3, (B, C1, N), dtype=jnp.float32)
    known_feats = jax.random.normal(k4, (B, C2, M), dtype=jnp.float32)
    # Conv2d 1x1 weight, kaiming_normal_ (fan_in mode): std = sqrt(2 / fan_in)
    W0 = jax.random.normal(k5, (C_OUT, C_IN), dtype=jnp.float32) * np.sqrt(2.0 / C_IN)
    gamma0 = jnp.ones((C_OUT,), dtype=jnp.float32)
    beta0 = jnp.zeros((C_OUT,), dtype=jnp.float32)
    return {
        'unknown': unknown,
        'known': known,
        'unknow_feats': unknow_feats,
        'known_feats': known_feats,
        'W0': W0,
        'gamma0': gamma0,
        'beta0': beta0,
    }


def _three_nn(unknown, known):
    # squared euclidean distances, [B, n, m], computed without materializing the diff tensor
    u2 = jnp.sum(unknown * unknown, axis=-1)  # [B, n]
    k2 = jnp.sum(known * known, axis=-1)      # [B, m]
    d2 = u2[:, :, None] + k2[:, None, :] - 2.0 * jnp.einsum('bnd,bmd->bnm', unknown, known)
    d2 = jnp.maximum(d2, 0.0)
    neg_vals, idx = jax.lax.top_k(-d2, 3)
    dist = -neg_vals  # [B, n, 3]
    return dist, idx


def reference(unknown, known, unknow_feats, known_feats, W0, gamma0, beta0):
    dist, idx = _three_nn(unknown, known)
    dist_recip = 1.0 / (dist + 1e-08)
    norm = jnp.sum(dist_recip, axis=2, keepdims=True)
    weight = dist_recip / norm  # [B, n, 3]
    # three_interpolate: gather known_feats [B, C2, m] at idx [B, n, 3]
    gathered = jnp.take_along_axis(known_feats[:, :, None, :], idx[:, None, :, :], axis=3)  # [B, C2, n, 3]
    interpolated_feats = jnp.sum(gathered * weight[:, None, :, :], axis=3)  # [B, C2, n]
    new_features = jnp.concatenate([interpolated_feats, unknow_feats], axis=1)  # [B, C_IN, n]
    # SharedMLP layer0: Conv2d 1x1 (no bias, bn=True) -> BatchNorm2d (training-mode batch stats) -> ReLU
    x = jnp.einsum('oc,bcn->bon', W0, new_features)  # [B, C_OUT, n]
    mean = jnp.mean(x, axis=(0, 2), keepdims=True)
    var = jnp.var(x, axis=(0, 2), keepdims=True)
    x = (x - mean) / jnp.sqrt(var + 1e-5)
    x = x * gamma0[None, :, None] + beta0[None, :, None]
    x = jnp.maximum(x, 0.0)
    return x

if __name__ == "__main__":
    import jax
    _d = setup_inputs()
    print(jax.jit(kernel)(*tuple(_d.values())))

</pallas_src>

<mosaic_0001>
#map = affine_map<(d0, d1) -> (0)>
#map1 = affine_map<(d0, d1) -> (0, 0)>
module attributes {stable_mosaic.version = 14 : i64} {
  func.func @_sc_gather_body(%arg0: i32, %arg1: i32, %arg2: memref<24576xi32, #tpu.memory_space<hbm>>, %arg3: memref<2048x128xf32, #tpu.memory_space<hbm>>, %arg4: memref<24576x128xf32, #tpu.memory_space<hbm>>, %arg5: memref<128xi32, #tpu.memory_space<vmem>>, %arg6: memref<128x128xf32, #tpu.memory_space<vmem>>, %arg7: memref<!tpu.dma_semaphore, #tpu.memory_space<semaphore_mem>>) attributes {dimension_semantics = [#tpu.dimension_semantics<core_parallel>, #tpu.dimension_semantics<subcore_parallel>], iteration_bounds = array<i64: 2, 16>, scalar_prefetch = 0 : i64, scratch_operands = 3 : i64, tpu.core_type = #tpu.core_type<sc_vector_subcore>, window_params = [{transform_indices = #map}, {transform_indices = #map1}, {transform_indices = #map1}]} {
    %mul3A = arith.constant 2 : i32
    %mul3A_0 = arith.muli %arg1, %mul3A : i32
    %add3A = arith.addi %mul3A_0, %arg0 : i32
    %mul3A_1 = arith.constant 256 : i32
    %mul3A_2 = arith.muli %add3A, %mul3A_1 : i32
    %scan3A = arith.constant 0 : i32
    %scan3A_3 = arith.constant 0 : i32
    %scan3A_4 = arith.constant 2 : i32
    %scan3A_5 = arith.addi %scan3A_3, %scan3A_4 : i32
    %scan3A_6 = arith.constant 1 : i32
    scf.for %scan3A_8 = %scan3A_3 to %scan3A_5 step %scan3A_6  : i32 {
      %mul3A_9 = arith.constant 128 : i32
      %mul3A_10 = arith.muli %scan3A_8, %mul3A_9 : i32
      %add3A_11 = arith.addi %mul3A_2, %mul3A_10 : i32
      %add3A_12 = arith.constant 0 : i32
      %add3A_13 = arith.addi %add3A_12, %add3A_11 : i32
      "tpu.region"() ({
        %run_scoped3A = tpu.sem_alloc : memref<!tpu.dma_semaphore, #tpu.memory_space<semaphore_mem>>
        %dma_start3A_40 = tpu.memref_slice %arg2[%add3A_13] : memref<24576xi32, #tpu.memory_space<hbm>> -> memref<128xi32, #tpu.memory_space<hbm>>
        %dma_start3A_41 = tpu.memref_slice %arg2[%add3A_13] : memref<24576xi32, #tpu.memory_space<hbm>> -> memref<128xi32, #tpu.memory_space<hbm>>
        tpu.enqueue_dma source(%dma_start3A_41 : memref<128xi32, #tpu.memory_space<hbm>>) target(%arg5 : memref<128xi32, #tpu.memory_space<vmem>>) target_semaphore(%run_scoped3A : memref<!tpu.dma_semaphore, #tpu.memory_space<semaphore_mem>>)
        %dma_wait3A_42 = tpu.memref_slice %arg2[%add3A_13] : memref<24576xi32, #tpu.memory_space<hbm>> -> memref<128xi32, #tpu.memory_space<hbm>>
        %dma_wait3A_43 = tpu.memref_slice %arg2[%add3A_13] : memref<24576xi32, #tpu.memory_space<hbm>> -> memref<128xi32, #tpu.memory_space<hbm>>
        tpu.wait_dma2 semaphore(%run_scoped3A : memref<!tpu.dma_semaphore, #tpu.memory_space<semaphore_mem>>) src(%dma_wait3A_43 : memref<128xi32, #tpu.memory_space<hbm>>) dst(%arg5 : memref<128xi32, #tpu.memory_space<vmem>>)
        tpu.yield
      }) : () -> ()
      %dma_start3A = arith.constant 0 : i32
      %dma_start3A_14 = arith.constant 0 : i32
      %dma_start3A_15 = tpu.memref_slice %arg3[%dma_start3A, %dma_start3A_14] : memref<2048x128xf32, #tpu.memory_space<hbm>> -> memref<2048x128xf32, #tpu.memory_space<hbm>>
      tpu.enqueue_indirect_dma source(%dma_start3A_15 : memref<2048x128xf32, #tpu.memory_space<hbm>>) target(%arg6 : memref<128x128xf32, #tpu.memory_space<vmem>>) offsets(%arg5 : memref<128xi32, #tpu.memory_space<vmem>>) semaphore(%arg7 : memref<!tpu.dma_semaphore, #tpu.memory_space<semaphore_mem>>)
      %dma_wait3A = arith.constant 0 : i32
      %dma_wait3A_16 = arith.constant 0 : i32
      %dma_wait3A_17 = tpu.memref_slice %arg3[%dma_wait3A, %dma_wait3A_16] : memref<2048x128xf32, #tpu.memory_space<hbm>> -> memref<2048x128xf32, #tpu.memory_space<hbm>>
      tpu.wait_indirect_dma semaphore(%arg7 : memref<!tpu.dma_semaphore, #tpu.memory_space<semaphore_mem>>) src(%dma_wait3A_17 : memref<2048x128xf32, #tpu.memory_space<hbm>>) dst(%arg6 : memref<128x128xf32, #tpu.memory_space<vmem>>)
      %add3A_18 = arith.constant 0 : i32
      %add3A_19 = arith.addi %add3A_18, %add3A_11 : i32
      "tpu.region"() ({
        %run_scoped3A = tpu.sem_alloc : memref<!tpu.dma_semaphore, #tpu.memory_space<semaphore_mem>>
        %dma_start3A_40 = arith.constant 0 : i32
        %dma_start3A_41 = tpu.memref_slice %arg4[%add3A_19, %dma_start3A_40] : memref<24576x128xf32, #tpu.memory_space<hbm>> -> memref<128x128xf32, #tpu.memory_space<hbm>>
        %dma_start3A_42 = arith.constant 0 : i32
        %dma_start3A_43 = tpu.memref_slice %arg4[%add3A_19, %dma_start3A_42] : memref<24576x128xf32, #tpu.memory_space<hbm>> -> memref<128x128xf32, #tpu.memory_space<hbm>>
        tpu.enqueue_dma source(%arg6 : memref<128x128xf32, #tpu.memory_space<vmem>>) target(%dma_start3A_43 : memref<128x128xf32, #tpu.memory_space<hbm>>) target_semaphore(%run_scoped3A : memref<!tpu.dma_semaphore, #tpu.memory_space<semaphore_mem>>)
        %dma_wait3A_44 = arith.constant 0 : i32
        %dma_wait3A_45 = tpu.memref_slice %arg4[%add3A_19, %dma_wait3A_44] : memref<24576x128xf32, #tpu.memory_space<hbm>> -> memref<128x128xf32, #tpu.memory_space<hbm>>
        %dma_wait3A_46 = arith.constant 0 : i32
        %dma_wait3A_47 = tpu.memref_slice %arg4[%add3A_19, %dma_wait3A_46] : memref<24576x128xf32, #tpu.memory_space<hbm>> -> memref<128x128xf32, #tpu.memory_space<hbm>>
        tpu.wait_dma2 semaphore(%run_scoped3A : memref<!tpu.dma_semaphore, #tpu.memory_space<semaphore_mem>>) src(%arg6 : memref<128x128xf32, #tpu.memory_space<vmem>>) dst(%dma_wait3A_47 : memref<128x128xf32, #tpu.memory_space<hbm>>)
        tpu.yield
      }) : () -> ()
      %add3A_20 = arith.constant 8192 : i32
      %add3A_21 = arith.addi %add3A_20, %add3A_11 : i32
      "tpu.region"() ({
        %run_scoped3A = tpu.sem_alloc : memref<!tpu.dma_semaphore, #tpu.memory_space<semaphore_mem>>
        %dma_start3A_40 = tpu.memref_slice %arg2[%add3A_21] : memref<24576xi32, #tpu.memory_space<hbm>> -> memref<128xi32, #tpu.memory_space<hbm>>
        %dma_start3A_41 = tpu.memref_slice %arg2[%add3A_21] : memref<24576xi32, #tpu.memory_space<hbm>> -> memref<128xi32, #tpu.memory_space<hbm>>
        tpu.enqueue_dma source(%dma_start3A_41 : memref<128xi32, #tpu.memory_space<hbm>>) target(%arg5 : memref<128xi32, #tpu.memory_space<vmem>>) target_semaphore(%run_scoped3A : memref<!tpu.dma_semaphore, #tpu.memory_space<semaphore_mem>>)
        %dma_wait3A_42 = tpu.memref_slice %arg2[%add3A_21] : memref<24576xi32, #tpu.memory_space<hbm>> -> memref<128xi32, #tpu.memory_space<hbm>>
        %dma_wait3A_43 = tpu.memref_slice %arg2[%add3A_21] : memref<24576xi32, #tpu.memory_space<hbm>> -> memref<128xi32, #tpu.memory_space<hbm>>
        tpu.wait_dma2 semaphore(%run_scoped3A : memref<!tpu.dma_semaphore, #tpu.memory_space<semaphore_mem>>) src(%dma_wait3A_43 : memref<128xi32, #tpu.memory_space<hbm>>) dst(%arg5 : memref<128xi32, #tpu.memory_space<vmem>>)
        tpu.yield
      }) : () -> ()
      %dma_start3A_22 = arith.constant 0 : i32
      %dma_start3A_23 = arith.constant 0 : i32
      %dma_start3A_24 = tpu.memref_slice %arg3[%dma_start3A_22, %dma_start3A_23] : memref<2048x128xf32, #tpu.memory_space<hbm>> -> memref<2048x128xf32, #tpu.memory_space<hbm>>
      tpu.enqueue_indirect_dma source(%dma_start3A_24 : memref<2048x128xf32, #tpu.memory_space<hbm>>) target(%arg6 : memref<128x128xf32, #tpu.memory_space<vmem>>) offsets(%arg5 : memref<128xi32, #tpu.memory_space<vmem>>) semaphore(%arg7 : memref<!tpu.dma_semaphore, #tpu.memory_space<semaphore_mem>>)
      %dma_wait3A_25 = arith.constant 0 : i32
      %dma_wait3A_26 = arith.constant 0 : i32
      %dma_wait3A_27 = tpu.memref_slice %arg3[%dma_wait3A_25, %dma_wait3A_26] : memref<2048x128xf32, #tpu.memory_space<hbm>> -> memref<2048x128xf32, #tpu.memory_space<hbm>>
      tpu.wait_indirect_dma semaphore(%arg7 : memref<!tpu.dma_semaphore, #tpu.memory_space<semaphore_mem>>) src(%dma_wait3A_27 : memref<2048x128xf32, #tpu.memory_space<hbm>>) dst(%arg6 : memref<128x128xf32, #tpu.memory_space<vmem>>)
      %add3A_28 = arith.constant 8192 : i32
      %add3A_29 = arith.addi %add3A_28, %add3A_11 : i32
      "tpu.region"() ({
        %run_scoped3A = tpu.sem_alloc : memref<!tpu.dma_semaphore, #tpu.memory_space<semaphore_mem>>
        %dma_start3A_40 = arith.constant 0 : i32
        %dma_start3A_41 = tpu.memref_slice %arg4[%add3A_29, %dma_start3A_40] : memref<24576x128xf32, #tpu.memory_space<hbm>> -> memref<128x128xf32, #tpu.memory_space<hbm>>
        %dma_start3A_42 = arith.constant 0 : i32
        %dma_start3A_43 = tpu.memref_slice %arg4[%add3A_29, %dma_start3A_42] : memref<24576x128xf32, #tpu.memory_space<hbm>> -> memref<128x128xf32, #tpu.memory_space<hbm>>
        tpu.enqueue_dma source(%arg6 : memref<128x128xf32, #tpu.memory_space<vmem>>) target(%dma_start3A_43 : memref<128x128xf32, #tpu.memory_space<hbm>>) target_semaphore(%run_scoped3A : memref<!tpu.dma_semaphore, #tpu.memory_space<semaphore_mem>>)
        %dma_wait3A_44 = arith.constant 0 : i32
        %dma_wait3A_45 = tpu.memref_slice %arg4[%add3A_29, %dma_wait3A_44] : memref<24576x128xf32, #tpu.memory_space<hbm>> -> memref<128x128xf32, #tpu.memory_space<hbm>>
        %dma_wait3A_46 = arith.constant 0 : i32
        %dma_wait3A_47 = tpu.memref_slice %arg4[%add3A_29, %dma_wait3A_46] : memref<24576x128xf32, #tpu.memory_space<hbm>> -> memref<128x128xf32, #tpu.memory_space<hbm>>
        tpu.wait_dma2 semaphore(%run_scoped3A : memref<!tpu.dma_semaphore, #tpu.memory_space<semaphore_mem>>) src(%arg6 : memref<128x128xf32, #tpu.memory_space<vmem>>) dst(%dma_wait3A_47 : memref<128x128xf32, #tpu.memory_space<hbm>>)
        tpu.yield
      }) : () -> ()
      %add3A_30 = arith.constant 16384 : i32
      %add3A_31 = arith.addi %add3A_30, %add3A_11 : i32
      "tpu.region"() ({
        %run_scoped3A = tpu.sem_alloc : memref<!tpu.dma_semaphore, #tpu.memory_space<semaphore_mem>>
        %dma_start3A_40 = tpu.memref_slice %arg2[%add3A_31] : memref<24576xi32, #tpu.memory_space<hbm>> -> memref<128xi32, #tpu.memory_space<hbm>>
        %dma_start3A_41 = tpu.memref_slice %arg2[%add3A_31] : memref<24576xi32, #tpu.memory_space<hbm>> -> memref<128xi32, #tpu.memory_space<hbm>>
        tpu.enqueue_dma source(%dma_start3A_41 : memref<128xi32, #tpu.memory_space<hbm>>) target(%arg5 : memref<128xi32, #tpu.memory_space<vmem>>) target_semaphore(%run_scoped3A : memref<!tpu.dma_semaphore, #tpu.memory_space<semaphore_mem>>)
        %dma_wait3A_42 = tpu.memref_slice %arg2[%add3A_31] : memref<24576xi32, #tpu.memory_space<hbm>> -> memref<128xi32, #tpu.memory_space<hbm>>
        %dma_wait3A_43 = tpu.memref_slice %arg2[%add3A_31] : memref<24576xi32, #tpu.memory_space<hbm>> -> memref<128xi32, #tpu.memory_space<hbm>>
        tpu.wait_dma2 semaphore(%run_scoped3A : memref<!tpu.dma_semaphore, #tpu.memory_space<semaphore_mem>>) src(%dma_wait3A_43 : memref<128xi32, #tpu.memory_space<hbm>>) dst(%arg5 : memref<128xi32, #tpu.memory_space<vmem>>)
        tpu.yield
      }) : () -> ()
      %dma_start3A_32 = arith.constant 0 : i32
      %dma_start3A_33 = arith.constant 0 : i32
      %dma_start3A_34 = tpu.memref_slice %arg3[%dma_start3A_32, %dma_start3A_33] : memref<2048x128xf32, #tpu.memory_space<hbm>> -> memref<2048x128xf32, #tpu.memory_space<hbm>>
      tpu.enqueue_indirect_dma source(%dma_start3A_34 : memref<2048x128xf32, #tpu.memory_space<hbm>>) target(%arg6 : memref<128x128xf32, #tpu.memory_space<vmem>>) offsets(%arg5 : memref<128xi32, #tpu.memory_space<vmem>>) semaphore(%arg7 : memref<!tpu.dma_semaphore, #tpu.memory_space<semaphore_mem>>)
      %dma_wait3A_35 = arith.constant 0 : i32
      %dma_wait3A_36 = arith.constant 0 : i32
      %dma_wait3A_37 = tpu.memref_slice %arg3[%dma_wait3A_35, %dma_wait3A_36] : memref<2048x128xf32, #tpu.memory_space<hbm>> -> memref<2048x128xf32, #tpu.memory_space<hbm>>
      tpu.wait_indirect_dma semaphore(%arg7 : memref<!tpu.dma_semaphore, #tpu.memory_space<semaphore_mem>>) src(%dma_wait3A_37 : memref<2048x128xf32, #tpu.memory_space<hbm>>) dst(%arg6 : memref<128x128xf32, #tpu.memory_space<vmem>>)
      %add3A_38 = arith.constant 16384 : i32
      %add3A_39 = arith.addi %add3A_38, %add3A_11 : i32
      "tpu.region"() ({
        %run_scoped3A = tpu.sem_alloc : memref<!tpu.dma_semaphore, #tpu.memory_space<semaphore_mem>>
        %dma_start3A_40 = arith.constant 0 : i32
        %dma_start3A_41 = tpu.memref_slice %arg4[%add3A_39, %dma_start3A_40] : memref<24576x128xf32, #tpu.memory_space<hbm>> -> memref<128x128xf32, #tpu.memory_space<hbm>>
        %dma_start3A_42 = arith.constant 0 : i32
        %dma_start3A_43 = tpu.memref_slice %arg4[%add3A_39, %dma_start3A_42] : memref<24576x128xf32, #tpu.memory_space<hbm>> -> memref<128x128xf32, #tpu.memory_space<hbm>>
        tpu.enqueue_dma source(%arg6 : memref<128x128xf32, #tpu.memory_space<vmem>>) target(%dma_start3A_43 : memref<128x128xf32, #tpu.memory_space<hbm>>) target_semaphore(%run_scoped3A : memref<!tpu.dma_semaphore, #tpu.memory_space<semaphore_mem>>)
        %dma_wait3A_44 = arith.constant 0 : i32
        %dma_wait3A_45 = tpu.memref_slice %arg4[%add3A_39, %dma_wait3A_44] : memref<24576x128xf32, #tpu.memory_space<hbm>> -> memref<128x128xf32, #tpu.memory_space<hbm>>
        %dma_wait3A_46 = arith.constant 0 : i32
        %dma_wait3A_47 = tpu.memref_slice %arg4[%add3A_39, %dma_wait3A_46] : memref<24576x128xf32, #tpu.memory_space<hbm>> -> memref<128x128xf32, #tpu.memory_space<hbm>>
        tpu.wait_dma2 semaphore(%run_scoped3A : memref<!tpu.dma_semaphore, #tpu.memory_space<semaphore_mem>>) src(%arg6 : memref<128x128xf32, #tpu.memory_space<vmem>>) dst(%dma_wait3A_47 : memref<128x128xf32, #tpu.memory_space<hbm>>)
        tpu.yield
      }) : () -> ()
    }
    %scan3A_7 = arith.constant 2 : i32
    return
  }
}

#map = affine_map<(d0, d1) -> (0)>
#map1 = affine_map<(d0, d1) -> (0, 0)>
module attributes {stable_mosaic.version = 14 : i64} {
  func.func @_sc_gather_body(%arg0: i32, %arg1: i32, %arg2: memref<24576xi32, #tpu.memory_space<hbm>>, %arg3: memref<2048x128xf32, #tpu.memory_space<hbm>>, %arg4: memref<24576x128xf32, #tpu.memory_space<hbm>>, %arg5: memref<128xi32, #tpu.memory_space<vmem>>, %arg6: memref<128x128xf32, #tpu.memory_space<vmem>>, %arg7: memref<!tpu.dma_semaphore, #tpu.memory_space<semaphore_mem>>) attributes {dimension_semantics = [#tpu.dimension_semantics<core_parallel>, #tpu.dimension_semantics<subcore_parallel>], iteration_bounds = array<i64: 2, 16>, scalar_prefetch = 0 : i64, scratch_operands = 3 : i64, tpu.core_type = #tpu.core_type<sc_vector_subcore>, window_params = [{transform_indices = #map}, {transform_indices = #map1}, {transform_indices = #map1}]} {
    %mul3A = arith.constant 2 : i32
    %mul3A_0 = arith.muli %arg1, %mul3A : i32
    %add3A = arith.addi %mul3A_0, %arg0 : i32
    %mul3A_1 = arith.constant 256 : i32
    %mul3A_2 = arith.muli %add3A, %mul3A_1 : i32
    %scan3A = arith.constant 0 : i32
    %scan3A_3 = arith.constant 0 : i32
    %scan3A_4 = arith.constant 2 : i32
    %scan3A_5 = arith.addi %scan3A_3, %scan3A_4 : i32
    %scan3A_6 = arith.constant 1 : i32
    scf.for %scan3A_8 = %scan3A_3 to %scan3A_5 step %scan3A_6  : i32 {
      %mul3A_9 = arith.constant 128 : i32
      %mul3A_10 = arith.muli %scan3A_8, %mul3A_9 : i32
      %add3A_11 = arith.addi %mul3A_2, %mul3A_10 : i32
      %add3A_12 = arith.constant 0 : i32
      %add3A_13 = arith.addi %add3A_12, %add3A_11 : i32
      "tpu.region"() ({
        %run_scoped3A = tpu.sem_alloc : memref<!tpu.dma_semaphore, #tpu.memory_space<semaphore_mem>>
        %dma_start3A_40 = tpu.memref_slice %arg2[%add3A_13] : memref<24576xi32, #tpu.memory_space<hbm>> -> memref<128xi32, #tpu.memory_space<hbm>>
        %dma_start3A_41 = tpu.memref_slice %arg2[%add3A_13] : memref<24576xi32, #tpu.memory_space<hbm>> -> memref<128xi32, #tpu.memory_space<hbm>>
        tpu.enqueue_dma source(%dma_start3A_41 : memref<128xi32, #tpu.memory_space<hbm>>) target(%arg5 : memref<128xi32, #tpu.memory_space<vmem>>) target_semaphore(%run_scoped3A : memref<!tpu.dma_semaphore, #tpu.memory_space<semaphore_mem>>)
        %dma_wait3A_42 = tpu.memref_slice %arg2[%add3A_13] : memref<24576xi32, #tpu.memory_space<hbm>> -> memref<128xi32, #tpu.memory_space<hbm>>
        %dma_wait3A_43 = tpu.memref_slice %arg2[%add3A_13] : memref<24576xi32, #tpu.memory_space<hbm>> -> memref<128xi32, #tpu.memory_space<hbm>>
        tpu.wait_dma2 semaphore(%run_scoped3A : memref<!tpu.dma_semaphore, #tpu.memory_space<semaphore_mem>>) src(%dma_wait3A_43 : memref<128xi32, #tpu.memory_space<hbm>>) dst(%arg5 : memref<128xi32, #tpu.memory_space<vmem>>)
        tpu.yield
      }) : () -> ()
      %dma_start3A = arith.constant 0 : i32
      %dma_start3A_14 = arith.constant 0 : i32
      %dma_start3A_15 = tpu.memref_slice %arg3[%dma_start3A, %dma_start3A_14] : memref<2048x128xf32, #tpu.memory_space<hbm>> -> memref<2048x128xf32, #tpu.memory_space<hbm>>
      tpu.enqueue_indirect_dma source(%dma_start3A_15 : memref<2048x128xf32, #tpu.memory_space<hbm>>) target(%arg6 : memref<128x128xf32, #tpu.memory_space<vmem>>) offsets(%arg5 : memref<128xi32, #tpu.memory_space<vmem>>) semaphore(%arg7 : memref<!tpu.dma_semaphore, #tpu.memory_space<semaphore_mem>>)
      %dma_wait3A = arith.constant 0 : i32
      %dma_wait3A_16 = arith.constant 0 : i32
      %dma_wait3A_17 = tpu.memref_slice %arg3[%dma_wait3A, %dma_wait3A_16] : memref<2048x128xf32, #tpu.memory_space<hbm>> -> memref<2048x128xf32, #tpu.memory_space<hbm>>
      tpu.wait_indirect_dma semaphore(%arg7 : memref<!tpu.dma_semaphore, #tpu.memory_space<semaphore_mem>>) src(%dma_wait3A_17 : memref<2048x128xf32, #tpu.memory_space<hbm>>) dst(%arg6 : memref<128x128xf32, #tpu.memory_space<vmem>>)
      %add3A_18 = arith.constant 0 : i32
      %add3A_19 = arith.addi %add3A_18, %add3A_11 : i32
      "tpu.region"() ({
        %run_scoped3A = tpu.sem_alloc : memref<!tpu.dma_semaphore, #tpu.memory_space<semaphore_mem>>
        %dma_start3A_40 = arith.constant 0 : i32
        %dma_start3A_41 = tpu.memref_slice %arg4[%add3A_19, %dma_start3A_40] : memref<24576x128xf32, #tpu.memory_space<hbm>> -> memref<128x128xf32, #tpu.memory_space<hbm>>
        %dma_start3A_42 = arith.constant 0 : i32
        %dma_start3A_43 = tpu.memref_slice %arg4[%add3A_19, %dma_start3A_42] : memref<24576x128xf32, #tpu.memory_space<hbm>> -> memref<128x128xf32, #tpu.memory_space<hbm>>
        tpu.enqueue_dma source(%arg6 : memref<128x128xf32, #tpu.memory_space<vmem>>) target(%dma_start3A_43 : memref<128x128xf32, #tpu.memory_space<hbm>>) target_semaphore(%run_scoped3A : memref<!tpu.dma_semaphore, #tpu.memory_space<semaphore_mem>>)
        %dma_wait3A_44 = arith.constant 0 : i32
        %dma_wait3A_45 = tpu.memref_slice %arg4[%add3A_19, %dma_wait3A_44] : memref<24576x128xf32, #tpu.memory_space<hbm>> -> memref<128x128xf32, #tpu.memory_space<hbm>>
        %dma_wait3A_46 = arith.constant 0 : i32
        %dma_wait3A_47 = tpu.memref_slice %arg4[%add3A_19, %dma_wait3A_46] : memref<24576x128xf32, #tpu.memory_space<hbm>> -> memref<128x128xf32, #tpu.memory_space<hbm>>
        tpu.wait_dma2 semaphore(%run_scoped3A : memref<!tpu.dma_semaphore, #tpu.memory_space<semaphore_mem>>) src(%arg6 : memref<128x128xf32, #tpu.memory_space<vmem>>) dst(%dma_wait3A_47 : memref<128x128xf32, #tpu.memory_space<hbm>>)
        tpu.yield
      }) : () -> ()
      %add3A_20 = arith.constant 8192 : i32
      %add3A_21 = arith.addi %add3A_20, %add3A_11 : i32
      "tpu.region"() ({
        %run_scoped3A = tpu.sem_alloc : memref<!tpu.dma_semaphore, #tpu.memory_space<semaphore_mem>>
        %dma_start3A_40 = tpu.memref_slice %arg2[%add3A_21] : memref<24576xi32, #tpu.memory_space<hbm>> -> memref<128xi32, #tpu.memory_space<hbm>>
        %dma_start3A_41 = tpu.memref_slice %arg2[%add3A_21] : memref<24576xi32, #tpu.memory_space<hbm>> -> memref<128xi32, #tpu.memory_space<hbm>>
        tpu.enqueue_dma source(%dma_start3A_41 : memref<128xi32, #tpu.memory_space<hbm>>) target(%arg5 : memref<128xi32, #tpu.memory_space<vmem>>) target_semaphore(%run_scoped3A : memref<!tpu.dma_semaphore, #tpu.memory_space<semaphore_mem>>)
        %dma_wait3A_42 = tpu.memref_slice %arg2[%add3A_21] : memref<24576xi32, #tpu.memory_space<hbm>> -> memref<128xi32, #tpu.memory_space<hbm>>
        %dma_wait3A_43 = tpu.memref_slice %arg2[%add3A_21] : memref<24576xi32, #tpu.memory_space<hbm>> -> memref<128xi32, #tpu.memory_space<hbm>>
        tpu.wait_dma2 semaphore(%run_scoped3A : memref<!tpu.dma_semaphore, #tpu.memory_space<semaphore_mem>>) src(%dma_wait3A_43 : memref<128xi32, #tpu.memory_space<hbm>>) dst(%arg5 : memref<128xi32, #tpu.memory_space<vmem>>)
        tpu.yield
      }) : () -> ()
      %dma_start3A_22 = arith.constant 0 : i32
      %dma_start3A_23 = arith.constant 0 : i32
      %dma_start3A_24 = tpu.memref_slice %arg3[%dma_start3A_22, %dma_start3A_23] : memref<2048x128xf32, #tpu.memory_space<hbm>> -> memref<2048x128xf32, #tpu.memory_space<hbm>>
      tpu.enqueue_indirect_dma source(%dma_start3A_24 : memref<2048x128xf32, #tpu.memory_space<hbm>>) target(%arg6 : memref<128x128xf32, #tpu.memory_space<vmem>>) offsets(%arg5 : memref<128xi32, #tpu.memory_space<vmem>>) semaphore(%arg7 : memref<!tpu.dma_semaphore, #tpu.memory_space<semaphore_mem>>)
      %dma_wait3A_25 = arith.constant 0 : i32
      %dma_wait3A_26 = arith.constant 0 : i32
      %dma_wait3A_27 = tpu.memref_slice %arg3[%dma_wait3A_25, %dma_wait3A_26] : memref<2048x128xf32, #tpu.memory_space<hbm>> -> memref<2048x128xf32, #tpu.memory_space<hbm>>
      tpu.wait_indirect_dma semaphore(%arg7 : memref<!tpu.dma_semaphore, #tpu.memory_space<semaphore_mem>>) src(%dma_wait3A_27 : memref<2048x128xf32, #tpu.memory_space<hbm>>) dst(%arg6 : memref<128x128xf32, #tpu.memory_space<vmem>>)
      %add3A_28 = arith.constant 8192 : i32
      %add3A_29 = arith.addi %add3A_28, %add3A_11 : i32
      "tpu.region"() ({
        %run_scoped3A = tpu.sem_alloc : memref<!tpu.dma_semaphore, #tpu.memory_space<semaphore_mem>>
        %dma_start3A_40 = arith.constant 0 : i32
        %dma_start3A_41 = tpu.memref_slice %arg4[%add3A_29, %dma_start3A_40] : memref<24576x128xf32, #tpu.memory_space<hbm>> -> memref<128x128xf32, #tpu.memory_space<hbm>>
        %dma_start3A_42 = arith.constant 0 : i32
        %dma_start3A_43 = tpu.memref_slice %arg4[%add3A_29, %dma_start3A_42] : memref<24576x128xf32, #tpu.memory_space<hbm>> -> memref<128x128xf32, #tpu.memory_space<hbm>>
        tpu.enqueue_dma source(%arg6 : memref<128x128xf32, #tpu.memory_space<vmem>>) target(%dma_start3A_43 : memref<128x128xf32, #tpu.memory_space<hbm>>) target_semaphore(%run_scoped3A : memref<!tpu.dma_semaphore, #tpu.memory_space<semaphore_mem>>)
        %dma_wait3A_44 = arith.constant 0 : i32
        %dma_wait3A_45 = tpu.memref_slice %arg4[%add3A_29, %dma_wait3A_44] : memref<24576x128xf32, #tpu.memory_space<hbm>> -> memref<128x128xf32, #tpu.memory_space<hbm>>
        %dma_wait3A_46 = arith.constant 0 : i32
        %dma_wait3A_47 = tpu.memref_slice %arg4[%add3A_29, %dma_wait3A_46] : memref<24576x128xf32, #tpu.memory_space<hbm>> -> memref<128x128xf32, #tpu.memory_space<hbm>>
        tpu.wait_dma2 semaphore(%run_scoped3A : memref<!tpu.dma_semaphore, #tpu.memory_space<semaphore_mem>>) src(%arg6 : memref<128x128xf32, #tpu.memory_space<vmem>>) dst(%dma_wait3A_47 : memref<128x128xf32, #tpu.memory_space<hbm>>)
        tpu.yield
      }) : () -> ()
      %add3A_30 = arith.constant 16384 : i32
      %add3A_31 = arith.addi %add3A_30, %add3A_11 : i32
      "tpu.region"() ({
        %run_scoped3A = tpu.sem_alloc : memref<!tpu.dma_semaphore, #tpu.memory_space<semaphore_mem>>
        %dma_start3A_40 = tpu.memref_slice %arg2[%add3A_31] : memref<24576xi32, #tpu.memory_space<hbm>> -> memref<128xi32, #tpu.memory_space<hbm>>
        %dma_start3A_41 = tpu.memref_slice %arg2[%add3A_31] : memref<24576xi32, #tpu.memory_space<hbm>> -> memref<128xi32, #tpu.memory_space<hbm>>
        tpu.enqueue_dma source(%dma_start3A_41 : memref<128xi32, #tpu.memory_space<hbm>>) target(%arg5 : memref<128xi32, #tpu.memory_space<vmem>>) target_semaphore(%run_scoped3A : memref<!tpu.dma_semaphore, #tpu.memory_space<semaphore_mem>>)
        %dma_wait3A_42 = tpu.memref_slice %arg2[%add3A_31] : memref<24576xi32, #tpu.memory_space<hbm>> -> memref<128xi32, #tpu.memory_space<hbm>>
        %dma_wait3A_43 = tpu.memref_slice %arg2[%add3A_31] : memref<24576xi32, #tpu.memory_space<hbm>> -> memref<128xi32, #tpu.memory_space<hbm>>
        tpu.wait_dma2 semaphore(%run_scoped3A : memref<!tpu.dma_semaphore, #tpu.memory_space<semaphore_mem>>) src(%dma_wait3A_43 : memref<128xi32, #tpu.memory_space<hbm>>) dst(%arg5 : memref<128xi32, #tpu.memory_space<vmem>>)
        tpu.yield
      }) : () -> ()
      %dma_start3A_32 = arith.constant 0 : i32
      %dma_start3A_33 = arith.constant 0 : i32
      %dma_start3A_34 = tpu.memref_slice %arg3[%dma_start3A_32, %dma_start3A_33] : memref<2048x128xf32, #tpu.memory_space<hbm>> -> memref<2048x128xf32, #tpu.memory_space<hbm>>
      tpu.enqueue_indirect_dma source(%dma_start3A_34 : memref<2048x128xf32, #tpu.memory_space<hbm>>) target(%arg6 : memref<128x128xf32, #tpu.memory_space<vmem>>) offsets(%arg5 : memref<128xi32, #tpu.memory_space<vmem>>) semaphore(%arg7 : memref<!tpu.dma_semaphore, #tpu.memory_space<semaphore_mem>>)
      %dma_wait3A_35 = arith.constant 0 : i32
      %dma_wait3A_36 = arith.constant 0 : i32
      %dma_wait3A_37 = tpu.memref_slice %arg3[%dma_wait3A_35, %dma_wait3A_36] : memref<2048x128xf32, #tpu.memory_space<hbm>> -> memref<2048x128xf32, #tpu.memory_space<hbm>>
      tpu.wait_indirect_dma semaphore(%arg7 : memref<!tpu.dma_semaphore, #tpu.memory_space<semaphore_mem>>) src(%dma_wait3A_37 : memref<2048x128xf32, #tpu.memory_space<hbm>>) dst(%arg6 : memref<128x128xf32, #tpu.memory_space<vmem>>)
      %add3A_38 = arith.constant 16384 : i32
      %add3A_39 = arith.addi %add3A_38, %add3A_11 : i32
      "tpu.region"() ({
        %run_scoped3A = tpu.sem_alloc : memref<!tpu.dma_semaphore, #tpu.memory_space<semaphore_mem>>
        %dma_start3A_40 = arith.constant 0 : i32
        %dma_start3A_41 = tpu.memref_slice %arg4[%add3A_39, %dma_start3A_40] : memref<24576x128xf32, #tpu.memory_space<hbm>> -> memref<128x128xf32, #tpu.memory_space<hbm>>
        %dma_start3A_42 = arith.constant 0 : i32
        %dma_start3A_43 = tpu.memref_slice %arg4[%add3A_39, %dma_start3A_42] : memref<24576x128xf32, #tpu.memory_space<hbm>> -> memref<128x128xf32, #tpu.memory_space<hbm>>
        tpu.enqueue_dma source(%arg6 : memref<128x128xf32, #tpu.memory_space<vmem>>) target(%dma_start3A_43 : memref<128x128xf32, #tpu.memory_space<hbm>>) target_semaphore(%run_scoped3A : memref<!tpu.dma_semaphore, #tpu.memory_space<semaphore_mem>>)
        %dma_wait3A_44 = arith.constant 0 : i32
        %dma_wait3A_45 = tpu.memref_slice %arg4[%add3A_39, %dma_wait3A_44] : memref<24576x128xf32, #tpu.memory_space<hbm>> -> memref<128x128xf32, #tpu.memory_space<hbm>>
        %dma_wait3A_46 = arith.constant 0 : i32
        %dma_wait3A_47 = tpu.memref_slice %arg4[%add3A_39, %dma_wait3A_46] : memref<24576x128xf32, #tpu.memory_space<hbm>> -> memref<128x128xf32, #tpu.memory_space<hbm>>
        tpu.wait_dma2 semaphore(%run_scoped3A : memref<!tpu.dma_semaphore, #tpu.memory_space<semaphore_mem>>) src(%arg6 : memref<128x128xf32, #tpu.memory_space<vmem>>) dst(%dma_wait3A_47 : memref<128x128xf32, #tpu.memory_space<hbm>>)
        tpu.yield
      }) : () -> ()
    }
    %scan3A_7 = arith.constant 2 : i32
    return
  }
}

#map = affine_map<(d0, d1) -> (0)>
#map1 = affine_map<(d0, d1) -> (0, 0)>
module attributes {stable_mosaic.version = 14 : i64} {
  func.func @_sc_gather_body(%arg0: i32, %arg1: i32, %arg2: memref<24576xi32, #tpu.memory_space<hbm>>, %arg3: memref<2048x128xf32, #tpu.memory_space<hbm>>, %arg4: memref<24576x128xf32, #tpu.memory_space<hbm>>, %arg5: memref<128xi32, #tpu.memory_space<vmem>>, %arg6: memref<128x128xf32, #tpu.memory_space<vmem>>, %arg7: memref<!tpu.dma_semaphore, #tpu.memory_space<semaphore_mem>>) attributes {dimension_semantics = [#tpu.dimension_semantics<core_parallel>, #tpu.dimension_semantics<subcore_parallel>], iteration_bounds = array<i64: 2, 16>, scalar_prefetch = 0 : i64, scratch_operands = 3 : i64, tpu.core_type = #tpu.core_type<sc_vector_subcore>, window_params = [{transform_indices = #map}, {transform_indices = #map1}, {transform_indices = #map1}]} {
    %mul3A = arith.constant 2 : i32
    %mul3A_0 = arith.muli %arg1, %mul3A : i32
    %add3A = arith.addi %mul3A_0, %arg0 : i32
    %mul3A_1 = arith.constant 256 : i32
    %mul3A_2 = arith.muli %add3A, %mul3A_1 : i32
    %scan3A = arith.constant 0 : i32
    %scan3A_3 = arith.constant 0 : i32
    %scan3A_4 = arith.constant 2 : i32
    %scan3A_5 = arith.addi %scan3A_3, %scan3A_4 : i32
    %scan3A_6 = arith.constant 1 : i32
    scf.for %scan3A_8 = %scan3A_3 to %scan3A_5 step %scan3A_6  : i32 {
      %mul3A_9 = arith.constant 128 : i32
      %mul3A_10 = arith.muli %scan3A_8, %mul3A_9 : i32
      %add3A_11 = arith.addi %mul3A_2, %mul3A_10 : i32
      %add3A_12 = arith.constant 0 : i32
      %add3A_13 = arith.addi %add3A_12, %add3A_11 : i32
      "tpu.region"() ({
        %run_scoped3A = tpu.sem_alloc : memref<!tpu.dma_semaphore, #tpu.memory_space<semaphore_mem>>
        %dma_start3A_40 = tpu.memref_slice %arg2[%add3A_13] : memref<24576xi32, #tpu.memory_space<hbm>> -> memref<128xi32, #tpu.memory_space<hbm>>
        %dma_start3A_41 = tpu.memref_slice %arg2[%add3A_13] : memref<24576xi32, #tpu.memory_space<hbm>> -> memref<128xi32, #tpu.memory_space<hbm>>
        tpu.enqueue_dma source(%dma_start3A_41 : memref<128xi32, #tpu.memory_space<hbm>>) target(%arg5 : memref<128xi32, #tpu.memory_space<vmem>>) target_semaphore(%run_scoped3A : memref<!tpu.dma_semaphore, #tpu.memory_space<semaphore_mem>>)
        %dma_wait3A_42 = tpu.memref_slice %arg2[%add3A_13] : memref<24576xi32, #tpu.memory_space<hbm>> -> memref<128xi32, #tpu.memory_space<hbm>>
        %dma_wait3A_43 = tpu.memref_slice %arg2[%add3A_13] : memref<24576xi32, #tpu.memory_space<hbm>> -> memref<128xi32, #tpu.memory_space<hbm>>
        tpu.wait_dma2 semaphore(%run_scoped3A : memref<!tpu.dma_semaphore, #tpu.memory_space<semaphore_mem>>) src(%dma_wait3A_43 : memref<128xi32, #tpu.memory_space<hbm>>) dst(%arg5 : memref<128xi32, #tpu.memory_space<vmem>>)
        tpu.yield
      }) : () -> ()
      %dma_start3A = arith.constant 0 : i32
      %dma_start3A_14 = arith.constant 0 : i32
      %dma_start3A_15 = tpu.memref_slice %arg3[%dma_start3A, %dma_start3A_14] : memref<2048x128xf32, #tpu.memory_space<hbm>> -> memref<2048x128xf32, #tpu.memory_space<hbm>>
      tpu.enqueue_indirect_dma source(%dma_start3A_15 : memref<2048x128xf32, #tpu.memory_space<hbm>>) target(%arg6 : memref<128x128xf32, #tpu.memory_space<vmem>>) offsets(%arg5 : memref<128xi32, #tpu.memory_space<vmem>>) semaphore(%arg7 : memref<!tpu.dma_semaphore, #tpu.memory_space<semaphore_mem>>)
      %dma_wait3A = arith.constant 0 : i32
      %dma_wait3A_16 = arith.constant 0 : i32
      %dma_wait3A_17 = tpu.memref_slice %arg3[%dma_wait3A, %dma_wait3A_16] : memref<2048x128xf32, #tpu.memory_space<hbm>> -> memref<2048x128xf32, #tpu.memory_space<hbm>>
      tpu.wait_indirect_dma semaphore(%arg7 : memref<!tpu.dma_semaphore, #tpu.memory_space<semaphore_mem>>) src(%dma_wait3A_17 : memref<2048x128xf32, #tpu.memory_space<hbm>>) dst(%arg6 : memref<128x128xf32, #tpu.memory_space<vmem>>)
      %add3A_18 = arith.constant 0 : i32
      %add3A_19 = arith.addi %add3A_18, %add3A_11 : i32
      "tpu.region"() ({
        %run_scoped3A = tpu.sem_alloc : memref<!tpu.dma_semaphore, #tpu.memory_space<semaphore_mem>>
        %dma_start3A_40 = arith.constant 0 : i32
        %dma_start3A_41 = tpu.memref_slice %arg4[%add3A_19, %dma_start3A_40] : memref<24576x128xf32, #tpu.memory_space<hbm>> -> memref<128x128xf32, #tpu.memory_space<hbm>>
        %dma_start3A_42 = arith.constant 0 : i32
        %dma_start3A_43 = tpu.memref_slice %arg4[%add3A_19, %dma_start3A_42] : memref<24576x128xf32, #tpu.memory_space<hbm>> -> memref<128x128xf32, #tpu.memory_space<hbm>>
        tpu.enqueue_dma source(%arg6 : memref<128x128xf32, #tpu.memory_space<vmem>>) target(%dma_start3A_43 : memref<128x128xf32, #tpu.memory_space<hbm>>) target_semaphore(%run_scoped3A : memref<!tpu.dma_semaphore, #tpu.memory_space<semaphore_mem>>)
        %dma_wait3A_44 = arith.constant 0 : i32
        %dma_wait3A_45 = tpu.memref_slice %arg4[%add3A_19, %dma_wait3A_44] : memref<24576x128xf32, #tpu.memory_space<hbm>> -> memref<128x128xf32, #tpu.memory_space<hbm>>
        %dma_wait3A_46 = arith.constant 0 : i32
        %dma_wait3A_47 = tpu.memref_slice %arg4[%add3A_19, %dma_wait3A_46] : memref<24576x128xf32, #tpu.memory_space<hbm>> -> memref<128x128xf32, #tpu.memory_space<hbm>>
        tpu.wait_dma2 semaphore(%run_scoped3A : memref<!tpu.dma_semaphore, #tpu.memory_space<semaphore_mem>>) src(%arg6 : memref<128x128xf32, #tpu.memory_space<vmem>>) dst(%dma_wait3A_47 : memref<128x128xf32, #tpu.memory_space<hbm>>)
        tpu.yield
      }) : () -> ()
      %add3A_20 = arith.constant 8192 : i32
      %add3A_21 = arith.addi %add3A_20, %add3A_11 : i32
      "tpu.region"() ({
        %run_scoped3A = tpu.sem_alloc : memref<!tpu.dma_semaphore, #tpu.memory_space<semaphore_mem>>
        %dma_start3A_40 = tpu.memref_slice %arg2[%add3A_21] : memref<24576xi32, #tpu.memory_space<hbm>> -> memref<128xi32, #tpu.memory_space<hbm>>
        %dma_start3A_41 = tpu.memref_slice %arg2[%add3A_21] : memref<24576xi32, #tpu.memory_space<hbm>> -> memref<128xi32, #tpu.memory_space<hbm>>
        tpu.enqueue_dma source(%dma_start3A_41 : memref<128xi32, #tpu.memory_space<hbm>>) target(%arg5 : memref<128xi32, #tpu.memory_space<vmem>>) target_semaphore(%run_scoped3A : memref<!tpu.dma_semaphore, #tpu.memory_space<semaphore_mem>>)
        %dma_wait3A_42 = tpu.memref_slice %arg2[%add3A_21] : memref<24576xi32, #tpu.memory_space<hbm>> -> memref<128xi32, #tpu.memory_space<hbm>>
        %dma_wait3A_43 = tpu.memref_slice %arg2[%add3A_21] : memref<24576xi32, #tpu.memory_space<hbm>> -> memref<128xi32, #tpu.memory_space<hbm>>
        tpu.wait_dma2 semaphore(%run_scoped3A : memref<!tpu.dma_semaphore, #tpu.memory_space<semaphore_mem>>) src(%dma_wait3A_43 : memref<128xi32, #tpu.memory_space<hbm>>) dst(%arg5 : memref<128xi32, #tpu.memory_space<vmem>>)
        tpu.yield
      }) : () -> ()
      %dma_start3A_22 = arith.constant 0 : i32
      %dma_start3A_23 = arith.constant 0 : i32
      %dma_start3A_24 = tpu.memref_slice %arg3[%dma_start3A_22, %dma_start3A_23] : memref<2048x128xf32, #tpu.memory_space<hbm>> -> memref<2048x128xf32, #tpu.memory_space<hbm>>
      tpu.enqueue_indirect_dma source(%dma_start3A_24 : memref<2048x128xf32, #tpu.memory_space<hbm>>) target(%arg6 : memref<128x128xf32, #tpu.memory_space<vmem>>) offsets(%arg5 : memref<128xi32, #tpu.memory_space<vmem>>) semaphore(%arg7 : memref<!tpu.dma_semaphore, #tpu.memory_space<semaphore_mem>>)
      %dma_wait3A_25 = arith.constant 0 : i32
      %dma_wait3A_26 = arith.constant 0 : i32
      %dma_wait3A_27 = tpu.memref_slice %arg3[%dma_wait3A_25, %dma_wait3A_26] : memref<2048x128xf32, #tpu.memory_space<hbm>> -> memref<2048x128xf32, #tpu.memory_space<hbm>>
      tpu.wait_indirect_dma semaphore(%arg7 : memref<!tpu.dma_semaphore, #tpu.memory_space<semaphore_mem>>) src(%dma_wait3A_27 : memref<2048x128xf32, #tpu.memory_space<hbm>>) dst(%arg6 : memref<128x128xf32, #tpu.memory_space<vmem>>)
      %add3A_28 = arith.constant 8192 : i32
      %add3A_29 = arith.addi %add3A_28, %add3A_11 : i32
      "tpu.region"() ({
        %run_scoped3A = tpu.sem_alloc : memref<!tpu.dma_semaphore, #tpu.memory_space<semaphore_mem>>
        %dma_start3A_40 = arith.constant 0 : i32
        %dma_start3A_41 = tpu.memref_slice %arg4[%add3A_29, %dma_start3A_40] : memref<24576x128xf32, #tpu.memory_space<hbm>> -> memref<128x128xf32, #tpu.memory_space<hbm>>
        %dma_start3A_42 = arith.constant 0 : i32
        %dma_start3A_43 = tpu.memref_slice %arg4[%add3A_29, %dma_start3A_42] : memref<24576x128xf32, #tpu.memory_space<hbm>> -> memref<128x128xf32, #tpu.memory_space<hbm>>
        tpu.enqueue_dma source(%arg6 : memref<128x128xf32, #tpu.memory_space<vmem>>) target(%dma_start3A_43 : memref<128x128xf32, #tpu.memory_space<hbm>>) target_semaphore(%run_scoped3A : memref<!tpu.dma_semaphore, #tpu.memory_space<semaphore_mem>>)
        %dma_wait3A_44 = arith.constant 0 : i32
        %dma_wait3A_45 = tpu.memref_slice %arg4[%add3A_29, %dma_wait3A_44] : memref<24576x128xf32, #tpu.memory_space<hbm>> -> memref<128x128xf32, #tpu.memory_space<hbm>>
        %dma_wait3A_46 = arith.constant 0 : i32
        %dma_wait3A_47 = tpu.memref_slice %arg4[%add3A_29, %dma_wait3A_46] : memref<24576x128xf32, #tpu.memory_space<hbm>> -> memref<128x128xf32, #tpu.memory_space<hbm>>
        tpu.wait_dma2 semaphore(%run_scoped3A : memref<!tpu.dma_semaphore, #tpu.memory_space<semaphore_mem>>) src(%arg6 : memref<128x128xf32, #tpu.memory_space<vmem>>) dst(%dma_wait3A_47 : memref<128x128xf32, #tpu.memory_space<hbm>>)
        tpu.yield
      }) : () -> ()
      %add3A_30 = arith.constant 16384 : i32
      %add3A_31 = arith.addi %add3A_30, %add3A_11 : i32
      "tpu.region"() ({
        %run_scoped3A = tpu.sem_alloc : memref<!tpu.dma_semaphore, #tpu.memory_space<semaphore_mem>>
        %dma_start3A_40 = tpu.memref_slice %arg2[%add3A_31] : memref<24576xi32, #tpu.memory_space<hbm>> -> memref<128xi32, #tpu.memory_space<hbm>>
        %dma_start3A_41 = tpu.memref_slice %arg2[%add3A_31] : memref<24576xi32, #tpu.memory_space<hbm>> -> memref<128xi32, #tpu.memory_space<hbm>>
        tpu.enqueue_dma source(%dma_start3A_41 : memref<128xi32, #tpu.memory_space<hbm>>) target(%arg5 : memref<128xi32, #tpu.memory_space<vmem>>) target_semaphore(%run_scoped3A : memref<!tpu.dma_semaphore, #tpu.memory_space<semaphore_mem>>)
        %dma_wait3A_42 = tpu.memref_slice %arg2[%add3A_31] : memref<24576xi32, #tpu.memory_space<hbm>> -> memref<128xi32, #tpu.memory_space<hbm>>
        %dma_wait3A_43 = tpu.memref_slice %arg2[%add3A_31] : memref<24576xi32, #tpu.memory_space<hbm>> -> memref<128xi32, #tpu.memory_space<hbm>>
        tpu.wait_dma2 semaphore(%run_scoped3A : memref<!tpu.dma_semaphore, #tpu.memory_space<semaphore_mem>>) src(%dma_wait3A_43 : memref<128xi32, #tpu.memory_space<hbm>>) dst(%arg5 : memref<128xi32, #tpu.memory_space<vmem>>)
        tpu.yield
      }) : () -> ()
      %dma_start3A_32 = arith.constant 0 : i32
      %dma_start3A_33 = arith.constant 0 : i32
      %dma_start3A_34 = tpu.memref_slice %arg3[%dma_start3A_32, %dma_start3A_33] : memref<2048x128xf32, #tpu.memory_space<hbm>> -> memref<2048x128xf32, #tpu.memory_space<hbm>>
      tpu.enqueue_indirect_dma source(%dma_start3A_34 : memref<2048x128xf32, #tpu.memory_space<hbm>>) target(%arg6 : memref<128x128xf32, #tpu.memory_space<vmem>>) offsets(%arg5 : memref<128xi32, #tpu.memory_space<vmem>>) semaphore(%arg7 : memref<!tpu.dma_semaphore, #tpu.memory_space<semaphore_mem>>)
      %dma_wait3A_35 = arith.constant 0 : i32
      %dma_wait3A_36 = arith.constant 0 : i32
      %dma_wait3A_37 = tpu.memref_slice %arg3[%dma_wait3A_35, %dma_wait3A_36] : memref<2048x128xf32, #tpu.memory_space<hbm>> -> memref<2048x128xf32, #tpu.memory_space<hbm>>
      tpu.wait_indirect_dma semaphore(%arg7 : memref<!tpu.dma_semaphore, #tpu.memory_space<semaphore_mem>>) src(%dma_wait3A_37 : memref<2048x128xf32, #tpu.memory_space<hbm>>) dst(%arg6 : memref<128x128xf32, #tpu.memory_space<vmem>>)
      %add3A_38 = arith.constant 16384 : i32
      %add3A_39 = arith.addi %add3A_38, %add3A_11 : i32
      "tpu.region"() ({
        %run_scoped3A = tpu.sem_alloc : memref<!tpu.dma_semaphore, #tpu.memory_space<semaphore_mem>>
        %dma_start3A_40 = arith.constant 0 : i32
        %dma_start3A_41 = tpu.memref_slice %arg4[%add3A_39, %dma_start3A_40] : memref<24576x128xf32, #tpu.memory_space<hbm>> -> memref<128x128xf32, #tpu.memory_space<hbm>>
        %dma_start3A_42 = arith.constant 0 : i32
        %dma_start3A_43 = tpu.memref_slice %arg4[%add3A_39, %dma_start3A_42] : memref<24576x128xf32, #tpu.memory_space<hbm>> -> memref<128x128xf32, #tpu.memory_space<hbm>>
        tpu.enqueue_dma source(%arg6 : memref<128x128xf32, #tpu.memory_space<vmem>>) target(%dma_start3A_43 : memref<128x128xf32, #tpu.memory_space<hbm>>) target_semaphore(%run_scoped3A : memref<!tpu.dma_semaphore, #tpu.memory_space<semaphore_mem>>)
        %dma_wait3A_44 = arith.constant 0 : i32
        %dma_wait3A_45 = tpu.memref_slice %arg4[%add3A_39, %dma_wait3A_44] : memref<24576x128xf32, #tpu.memory_space<hbm>> -> memref<128x128xf32, #tpu.memory_space<hbm>>
        %dma_wait3A_46 = arith.constant 0 : i32
        %dma_wait3A_47 = tpu.memref_slice %arg4[%add3A_39, %dma_wait3A_46] : memref<24576x128xf32, #tpu.memory_space<hbm>> -> memref<128x128xf32, #tpu.memory_space<hbm>>
        tpu.wait_dma2 semaphore(%run_scoped3A : memref<!tpu.dma_semaphore, #tpu.memory_space<semaphore_mem>>) src(%arg6 : memref<128x128xf32, #tpu.memory_space<vmem>>) dst(%dma_wait3A_47 : memref<128x128xf32, #tpu.memory_space<hbm>>)
        tpu.yield
      }) : () -> ()
    }
    %scan3A_7 = arith.constant 2 : i32
    return
  }
}

#map = affine_map<(d0, d1) -> (0)>
#map1 = affine_map<(d0, d1) -> (0, 0)>
module attributes {stable_mosaic.version = 14 : i64} {
  func.func @_sc_gather_body(%arg0: i32, %arg1: i32, %arg2: memref<24576xi32, #tpu.memory_space<hbm>>, %arg3: memref<2048x128xf32, #tpu.memory_space<hbm>>, %arg4: memref<24576x128xf32, #tpu.memory_space<hbm>>, %arg5: memref<128xi32, #tpu.memory_space<vmem>>, %arg6: memref<128x128xf32, #tpu.memory_space<vmem>>, %arg7: memref<!tpu.dma_semaphore, #tpu.memory_space<semaphore_mem>>) attributes {dimension_semantics = [#tpu.dimension_semantics<core_parallel>, #tpu.dimension_semantics<subcore_parallel>], iteration_bounds = array<i64: 2, 16>, scalar_prefetch = 0 : i64, scratch_operands = 3 : i64, tpu.core_type = #tpu.core_type<sc_vector_subcore>, window_params = [{transform_indices = #map}, {transform_indices = #map1}, {transform_indices = #map1}]} {
    %mul3A = arith.constant 2 : i32
    %mul3A_0 = arith.muli %arg1, %mul3A : i32
    %add3A = arith.addi %mul3A_0, %arg0 : i32
    %mul3A_1 = arith.constant 256 : i32
    %mul3A_2 = arith.muli %add3A, %mul3A_1 : i32
    %scan3A = arith.constant 0 : i32
    %scan3A_3 = arith.constant 0 : i32
    %scan3A_4 = arith.constant 2 : i32
    %scan3A_5 = arith.addi %scan3A_3, %scan3A_4 : i32
    %scan3A_6 = arith.constant 1 : i32
    scf.for %scan3A_8 = %scan3A_3 to %scan3A_5 step %scan3A_6  : i32 {
      %mul3A_9 = arith.constant 128 : i32
      %mul3A_10 = arith.muli %scan3A_8, %mul3A_9 : i32
      %add3A_11 = arith.addi %mul3A_2, %mul3A_10 : i32
      %add3A_12 = arith.constant 0 : i32
      %add3A_13 = arith.addi %add3A_12, %add3A_11 : i32
      "tpu.region"() ({
        %run_scoped3A = tpu.sem_alloc : memref<!tpu.dma_semaphore, #tpu.memory_space<semaphore_mem>>
        %dma_start3A_40 = tpu.memref_slice %arg2[%add3A_13] : memref<24576xi32, #tpu.memory_space<hbm>> -> memref<128xi32, #tpu.memory_space<hbm>>
        %dma_start3A_41 = tpu.memref_slice %arg2[%add3A_13] : memref<24576xi32, #tpu.memory_space<hbm>> -> memref<128xi32, #tpu.memory_space<hbm>>
        tpu.enqueue_dma source(%dma_start3A_41 : memref<128xi32, #tpu.memory_space<hbm>>) target(%arg5 : memref<128xi32, #tpu.memory_space<vmem>>) target_semaphore(%run_scoped3A : memref<!tpu.dma_semaphore, #tpu.memory_space<semaphore_mem>>)
        %dma_wait3A_42 = tpu.memref_slice %arg2[%add3A_13] : memref<24576xi32, #tpu.memory_space<hbm>> -> memref<128xi32, #tpu.memory_space<hbm>>
        %dma_wait3A_43 = tpu.memref_slice %arg2[%add3A_13] : memref<24576xi32, #tpu.memory_space<hbm>> -> memref<128xi32, #tpu.memory_space<hbm>>
        tpu.wait_dma2 semaphore(%run_scoped3A : memref<!tpu.dma_semaphore, #tpu.memory_space<semaphore_mem>>) src(%dma_wait3A_43 : memref<128xi32, #tpu.memory_space<hbm>>) dst(%arg5 : memref<128xi32, #tpu.memory_space<vmem>>)
        tpu.yield
      }) : () -> ()
      %dma_start3A = arith.constant 0 : i32
      %dma_start3A_14 = arith.constant 0 : i32
      %dma_start3A_15 = tpu.memref_slice %arg3[%dma_start3A, %dma_start3A_14] : memref<2048x128xf32, #tpu.memory_space<hbm>> -> memref<2048x128xf32, #tpu.memory_space<hbm>>
      tpu.enqueue_indirect_dma source(%dma_start3A_15 : memref<2048x128xf32, #tpu.memory_space<hbm>>) target(%arg6 : memref<128x128xf32, #tpu.memory_space<vmem>>) offsets(%arg5 : memref<128xi32, #tpu.memory_space<vmem>>) semaphore(%arg7 : memref<!tpu.dma_semaphore, #tpu.memory_space<semaphore_mem>>)
      %dma_wait3A = arith.constant 0 : i32
      %dma_wait3A_16 = arith.constant 0 : i32
      %dma_wait3A_17 = tpu.memref_slice %arg3[%dma_wait3A, %dma_wait3A_16] : memref<2048x128xf32, #tpu.memory_space<hbm>> -> memref<2048x128xf32, #tpu.memory_space<hbm>>
      tpu.wait_indirect_dma semaphore(%arg7 : memref<!tpu.dma_semaphore, #tpu.memory_space<semaphore_mem>>) src(%dma_wait3A_17 : memref<2048x128xf32, #tpu.memory_space<hbm>>) dst(%arg6 : memref<128x128xf32, #tpu.memory_space<vmem>>)
      %add3A_18 = arith.constant 0 : i32
      %add3A_19 = arith.addi %add3A_18, %add3A_11 : i32
      "tpu.region"() ({
        %run_scoped3A = tpu.sem_alloc : memref<!tpu.dma_semaphore, #tpu.memory_space<semaphore_mem>>
        %dma_start3A_40 = arith.constant 0 : i32
        %dma_start3A_41 = tpu.memref_slice %arg4[%add3A_19, %dma_start3A_40] : memref<24576x128xf32, #tpu.memory_space<hbm>> -> memref<128x128xf32, #tpu.memory_space<hbm>>
        %dma_start3A_42 = arith.constant 0 : i32
        %dma_start3A_43 = tpu.memref_slice %arg4[%add3A_19, %dma_start3A_42] : memref<24576x128xf32, #tpu.memory_space<hbm>> -> memref<128x128xf32, #tpu.memory_space<hbm>>
        tpu.enqueue_dma source(%arg6 : memref<128x128xf32, #tpu.memory_space<vmem>>) target(%dma_start3A_43 : memref<128x128xf32, #tpu.memory_space<hbm>>) target_semaphore(%run_scoped3A : memref<!tpu.dma_semaphore, #tpu.memory_space<semaphore_mem>>)
        %dma_wait3A_44 = arith.constant 0 : i32
        %dma_wait3A_45 = tpu.memref_slice %arg4[%add3A_19, %dma_wait3A_44] : memref<24576x128xf32, #tpu.memory_space<hbm>> -> memref<128x128xf32, #tpu.memory_space<hbm>>
        %dma_wait3A_46 = arith.constant 0 : i32
        %dma_wait3A_47 = tpu.memref_slice %arg4[%add3A_19, %dma_wait3A_46] : memref<24576x128xf32, #tpu.memory_space<hbm>> -> memref<128x128xf32, #tpu.memory_space<hbm>>
        tpu.wait_dma2 semaphore(%run_scoped3A : memref<!tpu.dma_semaphore, #tpu.memory_space<semaphore_mem>>) src(%arg6 : memref<128x128xf32, #tpu.memory_space<vmem>>) dst(%dma_wait3A_47 : memref<128x128xf32, #tpu.memory_space<hbm>>)
        tpu.yield
      }) : () -> ()
      %add3A_20 = arith.constant 8192 : i32
      %add3A_21 = arith.addi %add3A_20, %add3A_11 : i32
      "tpu.region"() ({
        %run_scoped3A = tpu.sem_alloc : memref<!tpu.dma_semaphore, #tpu.memory_space<semaphore_mem>>
        %dma_start3A_40 = tpu.memref_slice %arg2[%add3A_21] : memref<24576xi32, #tpu.memory_space<hbm>> -> memref<128xi32, #tpu.memory_space<hbm>>
        %dma_start3A_41 = tpu.memref_slice %arg2[%add3A_21] : memref<24576xi32, #tpu.memory_space<hbm>> -> memref<128xi32, #tpu.memory_space<hbm>>
        tpu.enqueue_dma source(%dma_start3A_41 : memref<128xi32, #tpu.memory_space<hbm>>) target(%arg5 : memref<128xi32, #tpu.memory_space<vmem>>) target_semaphore(%run_scoped3A : memref<!tpu.dma_semaphore, #tpu.memory_space<semaphore_mem>>)
        %dma_wait3A_42 = tpu.memref_slice %arg2[%add3A_21] : memref<24576xi32, #tpu.memory_space<hbm>> -> memref<128xi32, #tpu.memory_space<hbm>>
        %dma_wait3A_43 = tpu.memref_slice %arg2[%add3A_21] : memref<24576xi32, #tpu.memory_space<hbm>> -> memref<128xi32, #tpu.memory_space<hbm>>
        tpu.wait_dma2 semaphore(%run_scoped3A : memref<!tpu.dma_semaphore, #tpu.memory_space<semaphore_mem>>) src(%dma_wait3A_43 : memref<128xi32, #tpu.memory_space<hbm>>) dst(%arg5 : memref<128xi32, #tpu.memory_space<vmem>>)
        tpu.yield
      }) : () -> ()
      %dma_start3A_22 = arith.constant 0 : i32
      %dma_start3A_23 = arith.constant 0 : i32
      %dma_start3A_24 = tpu.memref_slice %arg3[%dma_start3A_22, %dma_start3A_23] : memref<2048x128xf32, #tpu.memory_space<hbm>> -> memref<2048x128xf32, #tpu.memory_space<hbm>>
      tpu.enqueue_indirect_dma source(%dma_start3A_24 : memref<2048x128xf32, #tpu.memory_space<hbm>>) target(%arg6 : memref<128x128xf32, #tpu.memory_space<vmem>>) offsets(%arg5 : memref<128xi32, #tpu.memory_space<vmem>>) semaphore(%arg7 : memref<!tpu.dma_semaphore, #tpu.memory_space<semaphore_mem>>)
      %dma_wait3A_25 = arith.constant 0 : i32
      %dma_wait3A_26 = arith.constant 0 : i32
      %dma_wait3A_27 = tpu.memref_slice %arg3[%dma_wait3A_25, %dma_wait3A_26] : memref<2048x128xf32, #tpu.memory_space<hbm>> -> memref<2048x128xf32, #tpu.memory_space<hbm>>
      tpu.wait_indirect_dma semaphore(%arg7 : memref<!tpu.dma_semaphore, #tpu.memory_space<semaphore_mem>>) src(%dma_wait3A_27 : memref<2048x128xf32, #tpu.memory_space<hbm>>) dst(%arg6 : memref<128x128xf32, #tpu.memory_space<vmem>>)
      %add3A_28 = arith.constant 8192 : i32
      %add3A_29 = arith.addi %add3A_28, %add3A_11 : i32
      "tpu.region"() ({
        %run_scoped3A = tpu.sem_alloc : memref<!tpu.dma_semaphore, #tpu.memory_space<semaphore_mem>>
        %dma_start3A_40 = arith.constant 0 : i32
        %dma_start3A_41 = tpu.memref_slice %arg4[%add3A_29, %dma_start3A_40] : memref<24576x128xf32, #tpu.memory_space<hbm>> -> memref<128x128xf32, #tpu.memory_space<hbm>>
        %dma_start3A_42 = arith.constant 0 : i32
        %dma_start3A_43 = tpu.memref_slice %arg4[%add3A_29, %dma_start3A_42] : memref<24576x128xf32, #tpu.memory_space<hbm>> -> memref<128x128xf32, #tpu.memory_space<hbm>>
        tpu.enqueue_dma source(%arg6 : memref<128x128xf32, #tpu.memory_space<vmem>>) target(%dma_start3A_43 : memref<128x128xf32, #tpu.memory_space<hbm>>) target_semaphore(%run_scoped3A : memref<!tpu.dma_semaphore, #tpu.memory_space<semaphore_mem>>)
        %dma_wait3A_44 = arith.constant 0 : i32
        %dma_wait3A_45 = tpu.memref_slice %arg4[%add3A_29, %dma_wait3A_44] : memref<24576x128xf32, #tpu.memory_space<hbm>> -> memref<128x128xf32, #tpu.memory_space<hbm>>
        %dma_wait3A_46 = arith.constant 0 : i32
        %dma_wait3A_47 = tpu.memref_slice %arg4[%add3A_29, %dma_wait3A_46] : memref<24576x128xf32, #tpu.memory_space<hbm>> -> memref<128x128xf32, #tpu.memory_space<hbm>>
        tpu.wait_dma2 semaphore(%run_scoped3A : memref<!tpu.dma_semaphore, #tpu.memory_space<semaphore_mem>>) src(%arg6 : memref<128x128xf32, #tpu.memory_space<vmem>>) dst(%dma_wait3A_47 : memref<128x128xf32, #tpu.memory_space<hbm>>)
        tpu.yield
      }) : () -> ()
      %add3A_30 = arith.constant 16384 : i32
      %add3A_31 = arith.addi %add3A_30, %add3A_11 : i32
      "tpu.region"() ({
        %run_scoped3A = tpu.sem_alloc : memref<!tpu.dma_semaphore, #tpu.memory_space<semaphore_mem>>
        %dma_start3A_40 = tpu.memref_slice %arg2[%add3A_31] : memref<24576xi32, #tpu.memory_space<hbm>> -> memref<128xi32, #tpu.memory_space<hbm>>
        %dma_start3A_41 = tpu.memref_slice %arg2[%add3A_31] : memref<24576xi32, #tpu.memory_space<hbm>> -> memref<128xi32, #tpu.memory_space<hbm>>
        tpu.enqueue_dma source(%dma_start3A_41 : memref<128xi32, #tpu.memory_space<hbm>>) target(%arg5 : memref<128xi32, #tpu.memory_space<vmem>>) target_semaphore(%run_scoped3A : memref<!tpu.dma_semaphore, #tpu.memory_space<semaphore_mem>>)
        %dma_wait3A_42 = tpu.memref_slice %arg2[%add3A_31] : memref<24576xi32, #tpu.memory_space<hbm>> -> memref<128xi32, #tpu.memory_space<hbm>>
        %dma_wait3A_43 = tpu.memref_slice %arg2[%add3A_31] : memref<24576xi32, #tpu.memory_space<hbm>> -> memref<128xi32, #tpu.memory_space<hbm>>
        tpu.wait_dma2 semaphore(%run_scoped3A : memref<!tpu.dma_semaphore, #tpu.memory_space<semaphore_mem>>) src(%dma_wait3A_43 : memref<128xi32, #tpu.memory_space<hbm>>) dst(%arg5 : memref<128xi32, #tpu.memory_space<vmem>>)
        tpu.yield
      }) : () -> ()
      %dma_start3A_32 = arith.constant 0 : i32
      %dma_start3A_33 = arith.constant 0 : i32
      %dma_start3A_34 = tpu.memref_slice %arg3[%dma_start3A_32, %dma_start3A_33] : memref<2048x128xf32, #tpu.memory_space<hbm>> -> memref<2048x128xf32, #tpu.memory_space<hbm>>
      tpu.enqueue_indirect_dma source(%dma_start3A_34 : memref<2048x128xf32, #tpu.memory_space<hbm>>) target(%arg6 : memref<128x128xf32, #tpu.memory_space<vmem>>) offsets(%arg5 : memref<128xi32, #tpu.memory_space<vmem>>) semaphore(%arg7 : memref<!tpu.dma_semaphore, #tpu.memory_space<semaphore_mem>>)
      %dma_wait3A_35 = arith.constant 0 : i32
      %dma_wait3A_36 = arith.constant 0 : i32
      %dma_wait3A_37 = tpu.memref_slice %arg3[%dma_wait3A_35, %dma_wait3A_36] : memref<2048x128xf32, #tpu.memory_space<hbm>> -> memref<2048x128xf32, #tpu.memory_space<hbm>>
      tpu.wait_indirect_dma semaphore(%arg7 : memref<!tpu.dma_semaphore, #tpu.memory_space<semaphore_mem>>) src(%dma_wait3A_37 : memref<2048x128xf32, #tpu.memory_space<hbm>>) dst(%arg6 : memref<128x128xf32, #tpu.memory_space<vmem>>)
      %add3A_38 = arith.constant 16384 : i32
      %add3A_39 = arith.addi %add3A_38, %add3A_11 : i32
      "tpu.region"() ({
        %run_scoped3A = tpu.sem_alloc : memref<!tpu.dma_semaphore, #tpu.memory_space<semaphore_mem>>
        %dma_start3A_40 = arith.constant 0 : i32
        %dma_start3A_41 = tpu.memref_slice %arg4[%add3A_39, %dma_start3A_40] : memref<24576x128xf32, #tpu.memory_space<hbm>> -> memref<128x128xf32, #tpu.memory_space<hbm>>
        %dma_start3A_42 = arith.constant 0 : i32
        %dma_start3A_43 = tpu.memref_slice %arg4[%add3A_39, %dma_start3A_42] : memref<24576x128xf32, #tpu.memory_space<hbm>> -> memref<128x128xf32, #tpu.memory_space<hbm>>
        tpu.enqueue_dma source(%arg6 : memref<128x128xf32, #tpu.memory_space<vmem>>) target(%dma_start3A_43 : memref<128x128xf32, #tpu.memory_space<hbm>>) target_semaphore(%run_scoped3A : memref<!tpu.dma_semaphore, #tpu.memory_space<semaphore_mem>>)
        %dma_wait3A_44 = arith.constant 0 : i32
        %dma_wait3A_45 = tpu.memref_slice %arg4[%add3A_39, %dma_wait3A_44] : memref<24576x128xf32, #tpu.memory_space<hbm>> -> memref<128x128xf32, #tpu.memory_space<hbm>>
        %dma_wait3A_46 = arith.constant 0 : i32
        %dma_wait3A_47 = tpu.memref_slice %arg4[%add3A_39, %dma_wait3A_46] : memref<24576x128xf32, #tpu.memory_space<hbm>> -> memref<128x128xf32, #tpu.memory_space<hbm>>
        tpu.wait_dma2 semaphore(%run_scoped3A : memref<!tpu.dma_semaphore, #tpu.memory_space<semaphore_mem>>) src(%arg6 : memref<128x128xf32, #tpu.memory_space<vmem>>) dst(%dma_wait3A_47 : memref<128x128xf32, #tpu.memory_space<hbm>>)
        tpu.yield
      }) : () -> ()
    }
    %scan3A_7 = arith.constant 2 : i32
    return
  }
}

module attributes {stable_mosaic.version = 14 : i64} {
  func.func @_knn_body(%arg0: i32, %arg1: memref<1024x8xf32, #tpu.memory_space<vmem>>, %arg2: memref<8x2048xf32, #tpu.memory_space<vmem>>, %arg3: memref<1024x3xi32, #tpu.memory_space<vmem>>, %arg4: memref<1024x3xf32, #tpu.memory_space<vmem>>) attributes {dimension_semantics = [#tpu.dimension_semantics<arbitrary>], iteration_bounds = array<i64: 8>, scalar_prefetch = 0 : i64, scratch_operands = 0 : i64, tpu.core_type = #tpu.core_type<tc>, window_params = [{transform_indices = @transform_0, window_bounds = array<i64: 1024, 8>}, {pipeline_mode = #tpu.pipeline_mode<synchronous>, transform_indices = @transform_1, window_bounds = array<i64: 8, 2048>}, {transform_indices = @transform_2, window_bounds = array<i64: 1024, 3>}, {transform_indices = @transform_3, window_bounds = array<i64: 1024, 3>}]} {
    %get3A = arith.constant 0 : index
    %get3A_0 = arith.constant 0 : index
    %get3A_1 = vector.load %arg1[%get3A, %get3A_0] : memref<1024x8xf32, #tpu.memory_space<vmem>>, vector<1024x8xf32>
    %get3A_2 = arith.constant 0 : index
    %get3A_3 = arith.constant 0 : index
    %get3A_4 = vector.load %arg2[%get3A_2, %get3A_3] : memref<8x2048xf32, #tpu.memory_space<vmem>>, vector<8x2048xf32>
    %mul3A = arith.mulf %get3A_4, %get3A_4 : vector<8x2048xf32>
    %reduce_sum3A = arith.constant dense<0.000000e+00> : vector<2048xf32>
    %reduce_sum3A_5 = vector.multi_reduction <add>, %mul3A, %reduce_sum3A [0] : vector<8x2048xf32> to vector<2048xf32>
    %broadcast_in_dim3A = vector.shape_cast %reduce_sum3A_5 : vector<2048xf32> to vector<1x2048xf32>
    %mul3A_6 = arith.mulf %get3A_1, %get3A_1 : vector<1024x8xf32>
    %reduce_sum3A_7 = arith.constant dense<0.000000e+00> : vector<1024xf32>
    %reduce_sum3A_8 = vector.multi_reduction <add>, %mul3A_6, %reduce_sum3A_7 [1] : vector<1024x8xf32> to vector<1024xf32>
    %broadcast_in_dim3A_9 = vector.shape_cast %reduce_sum3A_8 : vector<1024xf32> to vector<1024x1xf32>
    %mul3A_10 = arith.constant 2.500000e-01 : f32
    %mul3A_11 = vector.broadcast %mul3A_10 : f32 to vector<1024x1xf32>
    %mul3A_12 = arith.mulf %mul3A_11, %broadcast_in_dim3A_9 : vector<1024x1xf32>
    %sub3A = arith.constant 2.500000e-01 : f32
    %sub3A_13 = vector.broadcast %sub3A : f32 to vector<1024x1xf32>
    %sub3A_14 = arith.subf %mul3A_12, %sub3A_13 : vector<1024x1xf32>
    %dot_general3A = arith.constant dense<0.000000e+00> : vector<1024x2048xf32>
    %dot_general3A_15 = tpu.matmul %get3A_1, %get3A_4, %dot_general3A {dimension_numbers = #tpu.dot_dimension_numbers<[1], [0], [0], [1], [0, 0, 1, 1], [], []>, transpose_lhs_hint = false} : vector<1024x8xf32>, vector<8x2048xf32>, vector<1024x2048xf32> -> vector<1024x2048xf32>
    %add3A = vector.broadcast %broadcast_in_dim3A : vector<1x2048xf32> to vector<1024x2048xf32>
    %add3A_16 = arith.addf %dot_general3A_15, %add3A : vector<1024x2048xf32>
    %add3A_17 = vector.broadcast %sub3A_14 : vector<1024x1xf32> to vector<1024x2048xf32>
    %add3A_18 = arith.addf %add3A_17, %add3A_16 : vector<1024x2048xf32>
    %max3A = arith.constant 0.000000e+00 : f32
    %max3A_19 = vector.broadcast %max3A : f32 to vector<1024x2048xf32>
    %max3A_20 = arith.maximumf %add3A_18, %max3A_19 : vector<1024x2048xf32>
    %iota3A = tpu.iota {dimensions = array<i32: 1>} : vector<1024x2048xi32>
    %convert_element_type3A = arith.sitofp %iota3A : vector<1024x2048xi32> to vector<1024x2048xf32>
    %reduce_min3A = arith.constant dense<0x7F800000> : vector<1024xf32>
    %reduce_min3A_21 = vector.multi_reduction <minimumf>, %max3A_20, %reduce_min3A [1] : vector<1024x2048xf32> to vector<1024xf32>
    %broadcast_in_dim3A_22 = vector.shape_cast %reduce_min3A_21 : vector<1024xf32> to vector<1024x1xf32>
    %eq3A = vector.broadcast %broadcast_in_dim3A_22 : vector<1024x1xf32> to vector<1024x2048xf32>
    %eq3A_23 = arith.cmpf oeq, %max3A_20, %eq3A : vector<1024x2048xf32>
    %jit3A = arith.constant 3.000000e+38 : f32
    %broadcast_in_dim3A_24 = vector.broadcast %jit3A : f32 to vector<1024x2048xf32>
    %select_n3A = arith.select %eq3A_23, %convert_element_type3A, %broadcast_in_dim3A_24 : vector<1024x2048xi1>, vector<1024x2048xf32>
    %reduce_min3A_25 = arith.constant dense<0x7F800000> : vector<1024xf32>
    %reduce_min3A_26 = vector.multi_reduction <minimumf>, %select_n3A, %reduce_min3A_25 [1] : vector<1024x2048xf32> to vector<1024xf32>
    %broadcast_in_dim3A_27 = vector.shape_cast %reduce_min3A_26 : vector<1024xf32> to vector<1024x1xf32>
    %eq3A_28 = vector.broadcast %broadcast_in_dim3A_27 : vector<1024x1xf32> to vector<1024x2048xf32>
    %eq3A_29 = arith.cmpf oeq, %convert_element_type3A, %eq3A_28 : vector<1024x2048xf32>
    %jit3A_30 = arith.constant 3.000000e+38 : f32
    %broadcast_in_dim3A_31 = vector.broadcast %jit3A_30 : f32 to vector<1024x2048xf32>
    %select_n3A_32 = arith.select %eq3A_29, %broadcast_in_dim3A_31, %max3A_20 : vector<1024x2048xi1>, vector<1024x2048xf32>
    %reduce_min3A_33 = arith.constant dense<0x7F800000> : vector<1024xf32>
    %reduce_min3A_34 = vector.multi_reduction <minimumf>, %select_n3A_32, %reduce_min3A_33 [1] : vector<1024x2048xf32> to vector<1024xf32>
    %broadcast_in_dim3A_35 = vector.shape_cast %reduce_min3A_34 : vector<1024xf32> to vector<1024x1xf32>
    %eq3A_36 = vector.broadcast %broadcast_in_dim3A_35 : vector<1024x1xf32> to vector<1024x2048xf32>
    %eq3A_37 = arith.cmpf oeq, %select_n3A_32, %eq3A_36 : vector<1024x2048xf32>
    %jit3A_38 = arith.constant 3.000000e+38 : f32
    %broadcast_in_dim3A_39 = vector.broadcast %jit3A_38 : f32 to vector<1024x2048xf32>
    %select_n3A_40 = arith.select %eq3A_37, %convert_element_type3A, %broadcast_in_dim3A_39 : vector<1024x2048xi1>, vector<1024x2048xf32>
    %reduce_min3A_41 = arith.constant dense<0x7F800000> : vector<1024xf32>
    %reduce_min3A_42 = vector.multi_reduction <minimumf>, %select_n3A_40, %reduce_min3A_41 [1] : vector<1024x2048xf32> to vector<1024xf32>
    %broadcast_in_dim3A_43 = vector.shape_cast %reduce_min3A_42 : vector<1024xf32> to vector<1024x1xf32>
    %eq3A_44 = vector.broadcast %broadcast_in_dim3A_43 : vector<1024x1xf32> to vector<1024x2048xf32>
    %eq3A_45 = arith.cmpf oeq, %convert_element_type3A, %eq3A_44 : vector<1024x2048xf32>
    %jit3A_46 = arith.constant 3.000000e+38 : f32
    %broadcast_in_dim3A_47 = vector.broadcast %jit3A_46 : f32 to vector<1024x2048xf32>
    %select_n3A_48 = arith.select %eq3A_45, %broadcast_in_dim3A_47, %select_n3A_32 : vector<1024x2048xi1>, vector<1024x2048xf32>
    %reduce_min3A_49 = arith.constant dense<0x7F800000> : vector<1024xf32>
    %reduce_min3A_50 = vector.multi_reduction <minimumf>, %select_n3A_48, %reduce_min3A_49 [1] : vector<1024x2048xf32> to vector<1024xf32>
    %broadcast_in_dim3A_51 = vector.shape_cast %reduce_min3A_50 : vector<1024xf32> to vector<1024x1xf32>
    %eq3A_52 = vector.broadcast %broadcast_in_dim3A_51 : vector<1024x1xf32> to vector<1024x2048xf32>
    %eq3A_53 = arith.cmpf oeq, %select_n3A_48, %eq3A_52 : vector<1024x2048xf32>
    %jit3A_54 = arith.constant 3.000000e+38 : f32
    %broadcast_in_dim3A_55 = vector.broadcast %jit3A_54 : f32 to vector<1024x2048xf32>
    %select_n3A_56 = arith.select %eq3A_53, %convert_element_type3A, %broadcast_in_dim3A_55 : vector<1024x2048xi1>, vector<1024x2048xf32>
    %reduce_min3A_57 = arith.constant dense<0x7F800000> : vector<1024xf32>
    %reduce_min3A_58 = vector.multi_reduction <minimumf>, %select_n3A_56, %reduce_min3A_57 [1] : vector<1024x2048xf32> to vector<1024xf32>
    %broadcast_in_dim3A_59 = vector.shape_cast %reduce_min3A_58 : vector<1024xf32> to vector<1024x1xf32>
    %add3A_60 = arith.constant 9.99999993E-9 : f32
    %add3A_61 = vector.broadcast %add3A_60 : f32 to vector<1024x1xf32>
    %add3A_62 = arith.addf %broadcast_in_dim3A_22, %add3A_61 : vector<1024x1xf32>
    %div3A = arith.constant 1.000000e+00 : f32
    %div3A_63 = vector.broadcast %div3A : f32 to vector<1024x1xf32>
    %div3A_64 = arith.divf %div3A_63, %add3A_62 : vector<1024x1xf32>
    %add3A_65 = arith.constant 9.99999993E-9 : f32
    %add3A_66 = vector.broadcast %add3A_65 : f32 to vector<1024x1xf32>
    %add3A_67 = arith.addf %broadcast_in_dim3A_35, %add3A_66 : vector<1024x1xf32>
    %div3A_68 = arith.constant 1.000000e+00 : f32
    %div3A_69 = vector.broadcast %div3A_68 : f32 to vector<1024x1xf32>
    %div3A_70 = arith.divf %div3A_69, %add3A_67 : vector<1024x1xf32>
    %add3A_71 = arith.constant 9.99999993E-9 : f32
    %add3A_72 = vector.broadcast %add3A_71 : f32 to vector<1024x1xf32>
    %add3A_73 = arith.addf %broadcast_in_dim3A_51, %add3A_72 : vector<1024x1xf32>
    %div3A_74 = arith.constant 1.000000e+00 : f32
    %div3A_75 = vector.broadcast %div3A_74 : f32 to vector<1024x1xf32>
    %div3A_76 = arith.divf %div3A_75, %add3A_73 : vector<1024x1xf32>
    %add3A_77 = arith.addf %div3A_64, %div3A_70 : vector<1024x1xf32>
    %add3A_78 = arith.addf %add3A_77, %div3A_76 : vector<1024x1xf32>
    %concatenate3A = tpu.concatenate %broadcast_in_dim3A_27, %broadcast_in_dim3A_43, %broadcast_in_dim3A_59 in 1 : vector<1024x1xf32>, vector<1024x1xf32>, vector<1024x1xf32> -> vector<1024x3xf32>
    %convert_element_type3A_79 = arith.fptosi %concatenate3A : vector<1024x3xf32> to vector<1024x3xi32>
    %swap3A = arith.constant 0 : index
    %swap3A_80 = arith.constant 0 : index
    %swap3A_81 = vector.load %arg3[%swap3A, %swap3A_80] : memref<1024x3xi32, #tpu.memory_space<vmem>>, vector<1024x3xi32>
    tpu.vector_store %arg3[%swap3A, %swap3A_80], %convert_element_type3A_79 {strides = array<i32>} : memref<1024x3xi32, #tpu.memory_space<vmem>>, vector<1024x3xi32>,
    %div3A_82 = arith.divf %div3A_64, %add3A_78 : vector<1024x1xf32>
    %div3A_83 = arith.divf %div3A_70, %add3A_78 : vector<1024x1xf32>
    %div3A_84 = arith.divf %div3A_76, %add3A_78 : vector<1024x1xf32>
    %concatenate3A_85 = tpu.concatenate %div3A_82, %div3A_83, %div3A_84 in 1 : vector<1024x1xf32>, vector<1024x1xf32>, vector<1024x1xf32> -> vector<1024x3xf32>
    %swap3A_86 = arith.constant 0 : index
    %swap3A_87 = arith.constant 0 : index
    %swap3A_88 = vector.load %arg4[%swap3A_86, %swap3A_87] : memref<1024x3xf32, #tpu.memory_space<vmem>>, vector<1024x3xf32>
    tpu.vector_store %arg4[%swap3A_86, %swap3A_87], %concatenate3A_85 {strides = array<i32>} : memref<1024x3xf32, #tpu.memory_space<vmem>>, vector<1024x3xf32>,
    return
  }
  func.func @transform_0(%arg0: i32) -> (i32, i32) {
    %c0_i32 = arith.constant 0 : i32
    %c0_i32_0 = arith.constant 0 : i32
    return %arg0, %c0_i32 : i32, i32
  }
  func.func @transform_1(%arg0: i32) -> (i32, i32) {
    %c0_i32 = arith.constant 0 : i32
    %c0_i32_0 = arith.constant 0 : i32
    %c0_i32_1 = arith.constant 0 : i32
    return %c0_i32, %c0_i32_0 : i32, i32
  }
  func.func @transform_2(%arg0: i32) -> (i32, i32) {
    %c0_i32 = arith.constant 0 : i32
    %c0_i32_0 = arith.constant 0 : i32
    return %arg0, %c0_i32 : i32, i32
  }
  func.func @transform_3(%arg0: i32) -> (i32, i32) {
    %c0_i32 = arith.constant 0 : i32
    %c0_i32_0 = arith.constant 0 : i32
    return %arg0, %c0_i32 : i32, i32
  }
}

module attributes {stable_mosaic.version = 14 : i64} {
  func.func @_mlp_body(%arg0: i32, %arg1: memref<512x128xf32, #tpu.memory_space<vmem>>, %arg2: memref<512x128xf32, #tpu.memory_space<vmem>>, %arg3: memref<512x128xf32, #tpu.memory_space<vmem>>, %arg4: memref<512x3xf32, #tpu.memory_space<vmem>>, %arg5: memref<512x64xf32, #tpu.memory_space<vmem>>, %arg6: memref<128x128xf32, #tpu.memory_space<vmem>>, %arg7: memref<64x128xf32, #tpu.memory_space<vmem>>, %arg8: memref<512x128xf32, #tpu.memory_space<vmem>>, %arg9: memref<8x128xf32, #tpu.memory_space<vmem>>) attributes {dimension_semantics = [#tpu.dimension_semantics<arbitrary>], iteration_bounds = array<i64: 16>, scalar_prefetch = 0 : i64, scratch_operands = 0 : i64, tpu.core_type = #tpu.core_type<tc>, window_params = [{transform_indices = @transform_0, window_bounds = array<i64: 512, 128>}, {transform_indices = @transform_1, window_bounds = array<i64: 512, 128>}, {transform_indices = @transform_2, window_bounds = array<i64: 512, 128>}, {transform_indices = @transform_3, window_bounds = array<i64: 512, 3>}, {transform_indices = @transform_4, window_bounds = array<i64: 512, 64>}, {pipeline_mode = #tpu.pipeline_mode<synchronous>, transform_indices = @transform_5, window_bounds = array<i64: 128, 128>}, {pipeline_mode = #tpu.pipeline_mode<synchronous>, transform_indices = @transform_6, window_bounds = array<i64: 64, 128>}, {transform_indices = @transform_7, window_bounds = array<i64: 512, 128>}, {pipeline_mode = #tpu.pipeline_mode<synchronous>, transform_indices = @transform_8, window_bounds = array<i64: 8, 128>}]} {
    %get3A = arith.constant 0 : index
    %get3A_0 = arith.constant 0 : index
    %get3A_1 = vector.load %arg4[%get3A, %get3A_0] : memref<512x3xf32, #tpu.memory_space<vmem>>, vector<512x3xf32>
    %slice3A = vector.extract_strided_slice %get3A_1 {offsets = [0, 0], sizes = [512, 1], strides = [1, 1]} : vector<512x3xf32> to vector<512x1xf32>
    %get3A_2 = arith.constant 0 : index
    %get3A_3 = arith.constant 0 : index
    %get3A_4 = vector.load %arg1[%get3A_2, %get3A_3] : memref<512x128xf32, #tpu.memory_space<vmem>>, vector<512x128xf32>
    %mul3A = vector.broadcast %slice3A : vector<512x1xf32> to vector<512x128xf32>
    %mul3A_5 = arith.mulf %mul3A, %get3A_4 : vector<512x128xf32>
    %slice3A_6 = vector.extract_strided_slice %get3A_1 {offsets = [0, 1], sizes = [512, 1], strides = [1, 1]} : vector<512x3xf32> to vector<512x1xf32>
    %get3A_7 = arith.constant 0 : index
    %get3A_8 = arith.constant 0 : index
    %get3A_9 = vector.load %arg2[%get3A_7, %get3A_8] : memref<512x128xf32, #tpu.memory_space<vmem>>, vector<512x128xf32>
    %mul3A_10 = vector.broadcast %slice3A_6 : vector<512x1xf32> to vector<512x128xf32>
    %mul3A_11 = arith.mulf %mul3A_10, %get3A_9 : vector<512x128xf32>
    %add3A = arith.addf %mul3A_5, %mul3A_11 : vector<512x128xf32>
    %slice3A_12 = vector.extract_strided_slice %get3A_1 {offsets = [0, 2], sizes = [512, 1], strides = [1, 1]} : vector<512x3xf32> to vector<512x1xf32>
    %get3A_13 = arith.constant 0 : index
    %get3A_14 = arith.constant 0 : index
    %get3A_15 = vector.load %arg3[%get3A_13, %get3A_14] : memref<512x128xf32, #tpu.memory_space<vmem>>, vector<512x128xf32>
    %mul3A_16 = vector.broadcast %slice3A_12 : vector<512x1xf32> to vector<512x128xf32>
    %mul3A_17 = arith.mulf %mul3A_16, %get3A_15 : vector<512x128xf32>
    %add3A_18 = arith.addf %add3A, %mul3A_17 : vector<512x128xf32>
    %get3A_19 = arith.constant 0 : index
    %get3A_20 = arith.constant 0 : index
    %get3A_21 = vector.load %arg6[%get3A_19, %get3A_20] : memref<128x128xf32, #tpu.memory_space<vmem>>, vector<128x128xf32>
    %dot_general3A = arith.constant dense<0.000000e+00> : vector<512x128xf32>
    %dot_general3A_22 = tpu.matmul %add3A_18, %get3A_21, %dot_general3A {dimension_numbers = #tpu.dot_dimension_numbers<[1], [0], [0], [1], [0, 0, 1, 1], [], []>, transpose_lhs_hint = false} : vector<512x128xf32>, vector<128x128xf32>, vector<512x128xf32> -> vector<512x128xf32>
    %get3A_23 = arith.constant 0 : index
    %get3A_24 = arith.constant 0 : index
    %get3A_25 = vector.load %arg5[%get3A_23, %get3A_24] : memref<512x64xf32, #tpu.memory_space<vmem>>, vector<512x64xf32>
    %get3A_26 = arith.constant 0 : index
    %get3A_27 = arith.constant 0 : index
    %get3A_28 = vector.load %arg7[%get3A_26, %get3A_27] : memref<64x128xf32, #tpu.memory_space<vmem>>, vector<64x128xf32>
    %dot_general3A_29 = arith.constant dense<0.000000e+00> : vector<512x128xf32>
    %dot_general3A_30 = tpu.matmul %get3A_25, %get3A_28, %dot_general3A_29 {dimension_numbers = #tpu.dot_dimension_numbers<[1], [0], [0], [1], [0, 0, 1, 1], [], []>, transpose_lhs_hint = false} : vector<512x64xf32>, vector<64x128xf32>, vector<512x128xf32> -> vector<512x128xf32>
    %add3A_31 = arith.addf %dot_general3A_22, %dot_general3A_30 : vector<512x128xf32>
    %swap3A = arith.constant 0 : index
    %swap3A_32 = arith.constant 0 : index
    %swap3A_33 = vector.load %arg8[%swap3A, %swap3A_32] : memref<512x128xf32, #tpu.memory_space<vmem>>, vector<512x128xf32>
    tpu.vector_store %arg8[%swap3A, %swap3A_32], %add3A_31 {strides = array<i32>} : memref<512x128xf32, #tpu.memory_space<vmem>>, vector<512x128xf32>,
    %reduce_sum3A = arith.constant dense<0.000000e+00> : vector<128xf32>
    %reduce_sum3A_34 = vector.multi_reduction <add>, %add3A_31, %reduce_sum3A [0] : vector<512x128xf32> to vector<128xf32>
    %broadcast_in_dim3A = vector.shape_cast %reduce_sum3A_34 : vector<128xf32> to vector<1x128xf32>
    %mul3A_35 = arith.mulf %add3A_31, %add3A_31 : vector<512x128xf32>
    %reduce_sum3A_36 = arith.constant dense<0.000000e+00> : vector<128xf32>
    %reduce_sum3A_37 = vector.multi_reduction <add>, %mul3A_35, %reduce_sum3A_36 [0] : vector<512x128xf32> to vector<128xf32>
    %broadcast_in_dim3A_38 = vector.shape_cast %reduce_sum3A_37 : vector<128xf32> to vector<1x128xf32>
    %iota3A = tpu.iota {dimensions = array<i32: 0>} : vector<8x128xi32>
    %eq3A = arith.constant 0 : i32
    %eq3A_39 = vector.broadcast %eq3A : i32 to vector<8x128xi32>
    %eq3A_40 = arith.cmpi eq, %iota3A, %eq3A_39 : vector<8x128xi32>
    %broadcast_in_dim3A_41 = vector.shape_cast %broadcast_in_dim3A : vector<1x128xf32> to vector<1x128xf32>
    %broadcast_in_dim3A_42 = vector.broadcast %broadcast_in_dim3A_41 : vector<1x128xf32> to vector<8x128xf32>
    %jit3A = arith.constant 0.000000e+00 : f32
    %broadcast_in_dim3A_43 = vector.broadcast %jit3A : f32 to vector<8x128xf32>
    %select_n3A = arith.select %eq3A_40, %broadcast_in_dim3A_42, %broadcast_in_dim3A_43 : vector<8x128xi1>, vector<8x128xf32>
    %eq3A_44 = arith.constant 1 : i32
    %eq3A_45 = vector.broadcast %eq3A_44 : i32 to vector<8x128xi32>
    %eq3A_46 = arith.cmpi eq, %iota3A, %eq3A_45 : vector<8x128xi32>
    %broadcast_in_dim3A_47 = vector.shape_cast %broadcast_in_dim3A_38 : vector<1x128xf32> to vector<1x128xf32>
    %broadcast_in_dim3A_48 = vector.broadcast %broadcast_in_dim3A_47 : vector<1x128xf32> to vector<8x128xf32>
    %jit3A_49 = arith.constant 0.000000e+00 : f32
    %broadcast_in_dim3A_50 = vector.broadcast %jit3A_49 : f32 to vector<8x128xf32>
    %select_n3A_51 = arith.select %eq3A_46, %broadcast_in_dim3A_48, %broadcast_in_dim3A_50 : vector<8x128xi1>, vector<8x128xf32>
    %add3A_52 = arith.addf %select_n3A, %select_n3A_51 : vector<8x128xf32>
    %eq3A_53 = arith.constant 0 : i32
    %eq3A_54 = arith.cmpi eq, %arg0, %eq3A_53 : i32
    %convert_element_type3A = arith.extui %eq3A_54 : i1 to i32
    %cond3A = arith.constant 0 : i32
    %cond3A_55 = arith.cmpi ne, %convert_element_type3A, %cond3A : i32
    scf.if %cond3A_55 {
      %broadcast_in_dim3A_63 = arith.constant 0.000000e+00 : f32
      %broadcast_in_dim3A_64 = vector.broadcast %broadcast_in_dim3A_63 : f32 to vector<8x128xf32>
      %swap3A_65 = arith.constant 0 : index
      %swap3A_66 = arith.constant 0 : index
      %swap3A_67 = vector.load %arg9[%swap3A_65, %swap3A_66] : memref<8x128xf32, #tpu.memory_space<vmem>>, vector<8x128xf32>
      tpu.vector_store %arg9[%swap3A_65, %swap3A_66], %broadcast_in_dim3A_64 {strides = array<i32>} : memref<8x128xf32, #tpu.memory_space<vmem>>, vector<8x128xf32>,
    } else {
    }
    %get3A_56 = arith.constant 0 : index
    %get3A_57 = arith.constant 0 : index
    %get3A_58 = vector.load %arg9[%get3A_56, %get3A_57] : memref<8x128xf32, #tpu.memory_space<vmem>>, vector<8x128xf32>
    %add3A_59 = arith.addf %get3A_58, %add3A_52 : vector<8x128xf32>
    %swap3A_60 = arith.constant 0 : index
    %swap3A_61 = arith.constant 0 : index
    %swap3A_62 = vector.load %arg9[%swap3A_60, %swap3A_61] : memref<8x128xf32, #tpu.memory_space<vmem>>, vector<8x128xf32>
    tpu.vector_store %arg9[%swap3A_60, %swap3A_61], %add3A_59 {strides = array<i32>} : memref<8x128xf32, #tpu.memory_space<vmem>>, vector<8x128xf32>,
    return
  }
  func.func @transform_0(%arg0: i32) -> (i32, i32) {
    %c0_i32 = arith.constant 0 : i32
    %c0_i32_0 = arith.constant 0 : i32
    return %arg0, %c0_i32 : i32, i32
  }
  func.func @transform_1(%arg0: i32) -> (i32, i32) {
    %add3A = arith.constant 16 : i32
    %add3A_0 = arith.addi %arg0, %add3A : i32
    %c0_i32 = arith.constant 0 : i32
    %c0_i32_1 = arith.constant 0 : i32
    return %add3A_0, %c0_i32 : i32, i32
  }
  func.func @transform_2(%arg0: i32) -> (i32, i32) {
    %add3A = arith.constant 32 : i32
    %add3A_0 = arith.addi %arg0, %add3A : i32
    %c0_i32 = arith.constant 0 : i32
    %c0_i32_1 = arith.constant 0 : i32
    return %add3A_0, %c0_i32 : i32, i32
  }
  func.func @transform_3(%arg0: i32) -> (i32, i32) {
    %c0_i32 = arith.constant 0 : i32
    %c0_i32_0 = arith.constant 0 : i32
    return %arg0, %c0_i32 : i32, i32
  }
  func.func @transform_4(%arg0: i32) -> (i32, i32) {
    %c0_i32 = arith.constant 0 : i32
    %c0_i32_0 = arith.constant 0 : i32
    return %arg0, %c0_i32 : i32, i32
  }
  func.func @transform_5(%arg0: i32) -> (i32, i32) {
    %c0_i32 = arith.constant 0 : i32
    %c0_i32_0 = arith.constant 0 : i32
    %c0_i32_1 = arith.constant 0 : i32
    return %c0_i32, %c0_i32_0 : i32, i32
  }
  func.func @transform_6(%arg0: i32) -> (i32, i32) {
    %c0_i32 = arith.constant 0 : i32
    %c0_i32_0 = arith.constant 0 : i32
    %c0_i32_1 = arith.constant 0 : i32
    return %c0_i32, %c0_i32_0 : i32, i32
  }
  func.func @transform_7(%arg0: i32) -> (i32, i32) {
    %c0_i32 = arith.constant 0 : i32
    %c0_i32_0 = arith.constant 0 : i32
    return %arg0, %c0_i32 : i32, i32
  }
  func.func @transform_8(%arg0: i32) -> (i32, i32) {
    %c0_i32 = arith.constant 0 : i32
    %c0_i32_0 = arith.constant 0 : i32
    %c0_i32_1 = arith.constant 0 : i32
    return %c0_i32, %c0_i32_0 : i32, i32
  }
}

module attributes {stable_mosaic.version = 14 : i64} {
  func.func @_bn_body(%arg0: i32, %arg1: memref<2048x128xf32, #tpu.memory_space<vmem>>, %arg2: memref<8x128xf32, #tpu.memory_space<vmem>>, %arg3: memref<1x128xf32, #tpu.memory_space<vmem>>, %arg4: memref<1x128xf32, #tpu.memory_space<vmem>>, %arg5: memref<2048x128xf32, #tpu.memory_space<vmem>>) attributes {dimension_semantics = [#tpu.dimension_semantics<arbitrary>], iteration_bounds = array<i64: 4>, scalar_prefetch = 0 : i64, scratch_operands = 0 : i64, tpu.core_type = #tpu.core_type<tc>, window_params = [{transform_indices = @transform_0, window_bounds = array<i64: 2048, 128>}, {pipeline_mode = #tpu.pipeline_mode<synchronous>, transform_indices = @transform_1, window_bounds = array<i64: 8, 128>}, {pipeline_mode = #tpu.pipeline_mode<synchronous>, transform_indices = @transform_2, window_bounds = array<i64: 1, 128>}, {pipeline_mode = #tpu.pipeline_mode<synchronous>, transform_indices = @transform_3, window_bounds = array<i64: 1, 128>}, {transform_indices = @transform_4, window_bounds = array<i64: 2048, 128>}]} {
    %get3A = arith.constant 0 : index
    %get3A_0 = arith.constant 0 : index
    %get3A_1 = vector.load %arg2[%get3A, %get3A_0] : memref<8x128xf32, #tpu.memory_space<vmem>>, vector<1x128xf32>
    %get3A_2 = arith.constant 1 : index
    %get3A_3 = arith.constant 0 : index
    %get3A_4 = vector.load %arg2[%get3A_2, %get3A_3] : memref<8x128xf32, #tpu.memory_space<vmem>>, vector<1x128xf32>
    %div3A = arith.constant 3.276800e+04 : f32
    %div3A_5 = vector.broadcast %div3A : f32 to vector<1x128xf32>
    %div3A_6 = arith.divf %get3A_1, %div3A_5 : vector<1x128xf32>
    %div3A_7 = arith.constant 3.276800e+04 : f32
    %div3A_8 = vector.broadcast %div3A_7 : f32 to vector<1x128xf32>
    %div3A_9 = arith.divf %get3A_4, %div3A_8 : vector<1x128xf32>
    %mul3A = arith.mulf %div3A_6, %div3A_6 : vector<1x128xf32>
    %sub3A = arith.subf %div3A_9, %mul3A : vector<1x128xf32>
    %get3A_10 = arith.constant 0 : index
    %get3A_11 = arith.constant 0 : index
    %get3A_12 = vector.load %arg3[%get3A_10, %get3A_11] : memref<1x128xf32, #tpu.memory_space<vmem>>, vector<1x128xf32>
    %add3A = arith.constant 9.99999974E-6 : f32
    %add3A_13 = vector.broadcast %add3A : f32 to vector<1x128xf32>
    %add3A_14 = arith.addf %sub3A, %add3A_13 : vector<1x128xf32>
    %rsqrt3A = math.rsqrt %add3A_14 : vector<1x128xf32>
    %mul3A_15 = arith.mulf %get3A_12, %rsqrt3A : vector<1x128xf32>
    %get3A_16 = arith.constant 0 : index
    %get3A_17 = arith.constant 0 : index
    %get3A_18 = vector.load %arg4[%get3A_16, %get3A_17] : memref<1x128xf32, #tpu.memory_space<vmem>>, vector<1x128xf32>
    %mul3A_19 = arith.mulf %div3A_6, %mul3A_15 : vector<1x128xf32>
    %sub3A_20 = arith.subf %get3A_18, %mul3A_19 : vector<1x128xf32>
    %get3A_21 = arith.constant 0 : index
    %get3A_22 = arith.constant 0 : index
    %get3A_23 = vector.load %arg1[%get3A_21, %get3A_22] : memref<2048x128xf32, #tpu.memory_space<vmem>>, vector<2048x128xf32>
    %mul3A_24 = vector.broadcast %mul3A_15 : vector<1x128xf32> to vector<2048x128xf32>
    %mul3A_25 = arith.mulf %get3A_23, %mul3A_24 : vector<2048x128xf32>
    %add3A_26 = vector.broadcast %sub3A_20 : vector<1x128xf32> to vector<2048x128xf32>
    %add3A_27 = arith.addf %mul3A_25, %add3A_26 : vector<2048x128xf32>
    %max3A = arith.constant 0.000000e+00 : f32
    %max3A_28 = vector.broadcast %max3A : f32 to vector<2048x128xf32>
    %max3A_29 = arith.maximumf %add3A_27, %max3A_28 : vector<2048x128xf32>
    %swap3A = arith.constant 0 : index
    %swap3A_30 = arith.constant 0 : index
    %swap3A_31 = vector.load %arg5[%swap3A, %swap3A_30] : memref<2048x128xf32, #tpu.memory_space<vmem>>, vector<2048x128xf32>
    tpu.vector_store %arg5[%swap3A, %swap3A_30], %max3A_29 {strides = array<i32>} : memref<2048x128xf32, #tpu.memory_space<vmem>>, vector<2048x128xf32>,
    return
  }
  func.func @transform_0(%arg0: i32) -> (i32, i32) {
    %c0_i32 = arith.constant 0 : i32
    %c0_i32_0 = arith.constant 0 : i32
    return %arg0, %c0_i32 : i32, i32
  }
  func.func @transform_1(%arg0: i32) -> (i32, i32) {
    %c0_i32 = arith.constant 0 : i32
    %c0_i32_0 = arith.constant 0 : i32
    %c0_i32_1 = arith.constant 0 : i32
    return %c0_i32, %c0_i32_0 : i32, i32
  }
  func.func @transform_2(%arg0: i32) -> (i32, i32) {
    %c0_i32 = arith.constant 0 : i32
    %c0_i32_0 = arith.constant 0 : i32
    %c0_i32_1 = arith.constant 0 : i32
    return %c0_i32, %c0_i32_0 : i32, i32
  }
  func.func @transform_3(%arg0: i32) -> (i32, i32) {
    %c0_i32 = arith.constant 0 : i32
    %c0_i32_0 = arith.constant 0 : i32
    %c0_i32_1 = arith.constant 0 : i32
    return %c0_i32, %c0_i32_0 : i32, i32
  }
  func.func @transform_4(%arg0: i32) -> (i32, i32) {
    %c0_i32 = arith.constant 0 : i32
    %c0_i32_0 = arith.constant 0 : i32
    return %arg0, %c0_i32 : i32, i32
  }
}

</mosaic_0001>

<sc_bundles>
// kernel: kernel.18.cloned.1.call-start
scs
__scs_entry_jumppad:
0x0: {  	(pc) =	sbr.rel $0x88, $3  }
0x1: {  	(tag) =	ssettag $0x0;
	lr =	simm.s32 $0x1  }
0x2: {  	[smem:$0x3F9A] =	sst lr;
	_ =	strace $0xD0000000  }
0x3: {  	_ = 	snop  }
0x4: {  	_ = 	snop  }
0x5: {  	_ = 	snop  }
0x6: {  	_ = 	snop  }
0x7: {  	_ = 	snop  }
__scs_overlays_trampoline_lowered:
0x8: {  	[smem:$0x3FA9] =	sst s0  }
0x9: {  	[smem:$0x3FAA] =	sst s1  }
0xa: {  	[smem:$0x3FAB] =	sst s2  }
0xb: {  	[smem:$0x3FAC] =	sst s3  }
0xc: {  	[smem:$0x3FAD] =	sst s4  }
0xd: {  	[smem:$0x3FAE] =	sst s5  }
0xe: {  	[smem:$0x3FAF] =	sst s6  }
0xf: {  	[smem:$0x3FB0] =	sst s7  }
0x10: {  	[smem:$0x3FB1] =	sst s8  }
0x11: {  	[smem:$0x3FB2] =	sst s9;
	s0 =	simm.s32 @!p0 $0x0  }
0x12: {  	s1 =	sld [smem:$0x3F98];
	s0 =	simm.s32 @p0 $0x1  }
0x13: {  	[smem:$0x3FB3] =	sst s0;
	s0 =	simm.s32 @!p1 $0x0  }
0x14: {  	s2 =	sld [smem:$0x3F97];
	s0 =	simm.s32 @p1 $0x1  }
0x15: {  	[smem:$0x3FB4] =	sst s0;
	s0 =	simm.s32 @!p2 $0x0  }
0x16: {  	s3 =	sld [smem:$0x3FDB];
	s0 =	simm.s32 @p2 $0x1  }
0x17: {  	s4 =	simm.s32 $0x1BF5;
	[smem:$0x3FB6] =	sst s0  }
0x18: {  	s0 =	sld [smem:$0x3F99];
	_ =	swait.ge [sflag:s4], $0x0  }
0x19: {  	s7 =	sld [smem:$0x3F9A]  }
0x1a: {  	s8 =	sadd.s32 $0xFFFFE003, lr  }
0x1b: {  	s9 =	sadd.s32 $0xFFFFFEF7, lr;
	s5 =	simm.s32 $0xFFFFFFFF;
	p2 =	slt.u32 s8, $0xFFFFF086  }
0x1c: {  	p1 =	slt.u32 s9, $0xF7A;
	s5 =	simm.s32 @!p2 $0x0  }
0x1d: {  	s5 =	simm.s32 @p1 $0x1;
	p0 =	seq.s32 s7, s2  }
0x1e: {  	s7 =	smul.u32 @!p0 $0xF7A, s2;
	p2 =	seq.s32 @!p0 s5, $0x0  }
0x1f: {  	s9 =	smul.u32 $0xF7A, s1;
	s8 =	simm.s32 @!p0 $0x1BF5;
	p2 =	por !p2, p0  }
0x20: {  	[sflag:s8] =	ssyncset.s32 @!p0 $0xFFFFF086;
	s6 =	sadd.s32 @!p0 s3, s7;
	s7 =	simm.s32 @!p0 $0x108  }
0x21: {  	s3 =	sadd.s32 s3, s9;
	s6 =	sadd.s32 @!p0 $0x88, s6;
	s7 =	simm.s32 @p2 $0x1082  }
0x22: {  	[simem:s7], [sflag:s8] =	dma.local @!p0 [hbm:s6], $0xF7A  }
0x23: {  	s9 =	sor.u32 $0xD0000000, s2;
	s6 =	simm.s32 $0x108;
	_ =	swait.ge @!p0 [sflag:s8], $0x0  }
0x24: {  	s3 =	sadd.s32 $0x88, s3;
	s6 =	simm.s32 @!p1 $0x1082;
	[sflag:s4] =	ssyncset.s32 $0xFFFFF086  }
0x25: {  	[simem:s6], [sflag:s4] =	dma.local [hbm:s3], $0xF7A  }
0x26: {  	[smem:$0x3F9A] =	sst s1;
	(tag) =	ssettag s2;
	_ =	strace s9  }
0x27: {  	s1 =	sld [smem:$0x3FAA]  }
0x28: {  	s2 =	sld [smem:$0x3FAB]  }
0x29: {  	s4 =	sld [smem:$0x3FAD]  }
0x2a: {  	p0 =	seq.s32 s5, $0x0;
	s5 =	sld [smem:$0x3FAE]  }
0x2b: {  	s6 =	sld [smem:$0x3FAF]  }
0x2c: {  	s7 =	sld [smem:$0x3FB0]  }
0x2d: {  	s3 =	simm.s32 $0x108;
	s8 =	sld [smem:$0x3FB1]  }
0x2e: {  	s3 =	simm.s32 @!p0 $0x1082;
	s9 =	sld [smem:$0x3FB2]  }
0x2f: {  	lr =	sadd.s32 s0, s3;
	s0 =	sld [smem:$0x3FA9]  }
0x30: {  	s3 =	sld [smem:$0x3FAC]  }
0x31: {  	[smem:$0x3FB5] =	sst s10  }
0x32: {  	s10 =	sld [smem:$0x3FB3];
	_ =	sdelay $0x3  }
0x33: {  	p0 =	seq.s32 s10, $0x1;
	s10 =	sld [smem:$0x3FB5];
	_ =	sdelay $0x3  }
0x34: {  	[smem:$0x3FB5] =	sst s10  }
0x35: {  	s10 =	sld [smem:$0x3FB4];
	_ =	sdelay $0x3  }
0x36: {  	p1 =	seq.s32 s10, $0x1;
	s10 =	sld [smem:$0x3FB5];
	_ =	sdelay $0x3  }
0x37: {  	[smem:$0x3FB5] =	sst s10  }
0x38: {  	s10 =	sld [smem:$0x3FB6]  }
0x39: {  	_ = 	snop;
	(pc) =	sbr.ind lr, $3  }
0x3a: {  	_ = 	snop  }
0x3b: {  	_ = 	snop  }
0x3c: {  	p2 =	seq.s32 s10, $0x1;
	s10 =	sld [smem:$0x3FB5]  }
0x3d: {  	_ =	shalt  }
0x3e: {  	_ =	shalt  }
0x3f: {  	_ =	shalt  }
0x40: {  	_ =	shalt  }
0x41: {  	_ =	shalt  }
0x42: {  	_ =	shalt  }
0x43: {  	_ =	shalt  }
0x44: {  	_ =	shalt  }
0x45: {  	_ =	shalt  }
0x46: {  	_ =	shalt  }
0x47: {  	_ =	shalt  }
0x48: {  	_ =	shalt  }
0x49: {  	_ =	shalt  }
0x4a: {  	_ =	shalt  }
0x4b: {  	_ =	shalt  }
0x4c: {  	_ =	shalt  }
0x4d: {  	_ =	shalt  }
0x4e: {  	_ =	shalt  }
0x4f: {  	_ =	shalt  }
0x50: {  	_ =	shalt  }
0x51: {  	_ =	shalt  }
0x52: {  	_ =	shalt  }
0x53: {  	_ =	shalt  }
0x54: {  	_ =	shalt  }
0x55: {  	_ =	shalt  }
0x56: {  	_ =	shalt  }
0x57: {  	_ =	shalt  }
0x58: {  	_ =	shalt  }
0x59: {  	_ =	shalt  }
0x5a: {  	_ =	shalt  }
0x5b: {  	_ =	shalt  }
0x5c: {  	_ =	shalt  }
0x5d: {  	_ =	shalt  }
0x5e: {  	_ =	shalt  }
0x5f: {  	_ =	shalt  }
0x60: {  	_ =	shalt  }
0x61: {  	_ =	shalt  }
0x62: {  	_ =	shalt  }
0x63: {  	_ =	shalt  }
0x64: {  	_ =	shalt  }
0x65: {  	_ =	shalt  }
0x66: {  	_ =	shalt  }
0x67: {  	_ =	shalt  }
0x68: {  	_ =	shalt  }
0x69: {  	_ =	shalt  }
0x6a: {  	_ =	shalt  }
0x6b: {  	_ =	shalt  }
0x6c: {  	_ =	shalt  }
0x6d: {  	_ =	shalt  }
0x6e: {  	_ =	shalt  }
0x6f: {  	_ =	shalt  }
0x70: {  	_ =	shalt  }
0x71: {  	_ =	shalt  }
0x72: {  	_ =	shalt  }
0x73: {  	_ =	shalt  }
0x74: {  	_ =	shalt  }
0x75: {  	_ =	shalt  }
0x76: {  	_ =	shalt  }
0x77: {  	_ =	shalt  }
0x78: {  	_ =	shalt  }
0x79: {  	_ =	shalt  }
0x7a: {  	_ =	shalt  }
0x7b: {  	_ =	shalt  }
0x7c: {  	_ =	shalt  }
0x7d: {  	_ =	shalt  }
0x7e: {  	_ =	shalt  }
0x7f: {  	_ =	shalt  }
0x80: {  	_ =	shalt  }
0x81: {  	_ =	shalt  }
0x82: {  	_ =	shalt  }
0x83: {  	_ =	shalt  }
0x84: {  	_ =	shalt  }
0x85: {  	_ =	shalt  }
0x86: {  	_ =	shalt  }
0x87: {  	_ =	shalt  }
.Lfunc_end0:
.L_simem_size_0:
called_computation_lowered:
.L_overlay_start_0:
0x88: {  	s2 =	sld [smem:$0x3FD9]  }
0x89: {  	s3 =	sld [smem:$0x3FFE];
	_ =	sdelay $0x1  }
0x8a: {  	s1 =	srdreg.scid  }
0x8b: {  	s0 =	sand.u32 $0x1, s1  }
0x8c: {  	s17 =	sshll.u32 s0, $0xA;
	s2 =	sadd.s32 s3, s2  }
0x8d: {  	s2 =	sadd.s32 s2, s17  }
0x8e: {  	[smem:$0x3FC1] =	sst s2  }
0x8f: {  	_ = 	snop  }
0x90: {  	(tm) =	ssettm $0x1  }
0x91: {  	s18 =	sld [smem:$0x3FFB];
	_ =	sdelay $0x3  }
0x92: {  	_ =	strace s18  }
0x93: {  	s2 =	sld [smem:$0x3FFC];
	_ =	sdelay $0x3  }
0x94: {  	_ =	strace s2  }
0x95: {  	s2 =	sld [smem:$0x3FFD];
	_ =	sdelay $0x3  }
0x96: {  	_ =	strace s2  }
0x97: {  	_ =	strace $0x8FFFFFFF  }
0x98: {  	s19 =	sld [smem:$0x3FDB];
	_ =	sdelay $0x1  }
0x99: {  	s20 =	simm.s32 $_scs_section_size  }
0x9a: {  	s4 =	simm.s32 $_size__tile_overlayer_lowered;
	s5 =	simm.s32 $_tile_overlayer_lowered  }
0x9b: {  	s6 =	simm.s32 $0x1BFF;
	s21 =	sshll.u32 s5, $0x1;
	s3 =	sadd.s32 s20, s19  }
0x9c: {  	s22 =	simm.s32 $0x0;
	s4 =	sshll.u32 s4, $0x1;
	s5 =	sadd.s32 s21, s3  }
0x9d: {  	[timem:s22], [sflag:s6] =	dma.local [hbm:s5], s4  }
0x9e: {  	_ =	swait.ge [sflag:s6], s4  }
0x9f: {  	s4 =	ssub.s32 $0x0, s4;
	[sflag:s6] =	ssyncset.done $0x0  }
0xa0: {  	[sflag:s6] =	ssyncadd.s32 s4;
	_ =	sdelay $0x1  }
0xa1: {  	s23 =	simm.s32 $0x1B8B  }
0xa2: {  	_ =	swait.ge [sflag:s23], $0x1  }
0xa3: {  	[sflag:s23] =	ssyncset.done $0x0  }
0xa4: {  	[sflag:s23] =	ssyncadd.s32 $0xFFFFFFFF  }
0xa5: {  	s4 =	sld [smem:$0x0]  }
0xa6: {  	s5 =	sand.u32 $0xFFFFFFFE, s1  }
0xa7: {  	p0 =	sne.s32 s1, s5  }
0xa8: {  	s5 =	sshll.u32 @p0 s5, $0xE  }
0xa9: {  	s5 =	sadd.s32 @p0 $0x11B8D, s5;
	s6 =	sshll.u32 @p0 s4, $0x11  }
0xaa: {  	s5 =	sor.u32 @p0 s6, s5  }
0xab: {  	[sflag:s5] =	ssyncadd.remote.s32 @p0 $0x1;
	_ =	sdelay $0x1  }
0xac: {  	s5 =	simm.s32 @p0 $0x1B8D  }
0xad: {  	_ =	swait.eq @p0 [sflag:s5], $0x1  }
0xae: {  	[sflag:s5] =	ssyncadd.s32 @p0 $0xFFFFFFFF  }
0xaf: {  	s6 =	sshll.u32 @!p0 s1, $0xE  }
0xb0: {  	s6 =	sor.u32 @!p0 $0x4000, s6;
	s5 =	simm.s32 @!p0 $0x1B8D  }
0xb1: {  	s4 =	sshll.u32 @!p0 s4, $0x11;
	s6 =	sadd.s32 @!p0 $0x11B8D, s6;
	_ =	swait.eq @!p0 [sflag:s5], $0x1  }
0xb2: {  	s4 =	sor.u32 @!p0 s4, s6;
	[sflag:s5] =	ssyncadd.s32 @!p0 $0xFFFFFFFF  }
0xb3: {  	s25 =	simm.s32 $0x1B8E;
	s24 =	sld [smem:$0x3FFE];
	[sflag:s4] =	ssyncadd.remote.s32 @!p0 $0x1  }
0xb4: {  	s26 =	simm.s32 $execute0_lowered;
	[smem:$0x3FD2] =	sst s25  }
0xb5: {  	s5 =	sshll.u32 s26, $0x1;
	_ =	strace $0x80000049;
	[dreg:$0x1] =	wrdreg $0xFFFFFFFF  }
0xb6: {  	s28 =	simm.s32 $_size_execute0_lowered;
	s3 =	sadd.s32 s3, s5;
	[dreg:$0x0] =	wrdreg $0x0  }
0xb7: {  	s5 =	sshll.u32 s28, $0x1;
	[dreg:$0x2] =	wrdreg s3  }
0xb8: {  	[dreg:$0x3] =	wrdreg s5  }
0xb9: {  	[dreg:$0x4] =	wrdreg $0xC0  }
0xba: {  	_ =	task [dreg:s22], $0x5FFFF  }
0xbb: {  	[dreg:$0x1] =	wrdreg $0xFFFFFFFF  }
0xbc: {  	[dreg:$0x0] =	wrdreg $0x60  }
0xbd: {  	[dreg:$0x2] =	wrdreg s24  }
0xbe: {  	[dreg:$0x3] =	wrdreg $0x9  }
0xbf: {  	_ =	task.clear_ibuf [dreg:s22], $0x4FFFF;
	_ =	strace $0x90000049  }
0xc0: {  	s29 =	simm.s32 $0x9;
	_ =	strace $0x8000004B  }
0xc1: {  	_ =	swait.ge [sflag:s29], $0x1  }
0xc2: {  	[sflag:s29] =	ssyncadd.s32 $0xFFFFFFFF  }
0xc3: {  	_ =	strace $0x9000004B  }
0xc4: {  	_ =	sfence  }
0xc5: {  	s30 =	sld [smem:$0x0];
	_ =	sdelay $0x2  }
0xc6: {  	s31 =	sshll.u32 s1, $0xD;
	s1 =	sshrl.u32 s1, $0x2  }
0xc7: {  	s4 =	sand.u32 $0x4000, s31;
	s1 =	sadd.s32 s1, s30  }
0xc8: {  	s0 =	sor.u32 s4, s0;
	s1 =	sshll.u32 s1, $0x11  }
0xc9: {  	s0 =	sor.u32 s1, s0  }
0xca: {  	s0 =	sadd.s32 $0x8F2B, s0  }
0xcb: {  	[sflag:s0] =	ssyncadd.remote.s32 $0x1  }
0xcc: {  	_ =	sfence.sel $0xFFFF  }
0xcd: {  	[dreg:$0x0] =	wrdreg $0xFFFFFFFF;
	(pc) =	sbr.abs _section_cstart, $3  }
0xce: {  	[dreg:$0x1] =	wrdreg $0xFFFFFFFF  }
0xcf: {  	_ =	task.clear_ibuf [dreg:s22], $0x2FFFF;
	_ =	strace $0x9FFFFFFF  }
0xd0: {  	(tm) =	ssettm $0x7FFFFFFF  }
0xd1: {  	_ =	shalt  }
tec
execute0_lowered:
.L_overlay_start_1:
0x0: {  	(tag) =	ssettag $0x1  }
0x1: {  	s1 =	srdreg.scid  }
0x2: {  	s0 =	stileid.u32;
	s18 =	sand.u32 $0x1, s1  }
0x3: {  	s8 =	rddreg [dreg:$0x0];
	s3 =	sshll.u32 s0, $0x9;
	s4 =	sshll.u32 s18, $0x8  }
0x4: {  	s2 =	simm.s32 $0x0;
	s1 =	rddreg [dreg:$0x1];
	s20 =	sor.u32 s4, s3  }
0x5: {  	[smem:$0x7FF] =	sst s2;
	s17 =	sadd.s32 $0x85400, s8;
	s3 =	sshrl.u32 s20, $0x3  }
0x6: {  	_ =	strace $0x8000004A;
	s4 =	sadd.s32 s17, s3;
	s3 =	simm.s32 $0x2  }
0x7: {  	[tilespmem:s2], [sflag:$0x2] =	stream.linear.gather [hbm4b:s4+s2], $0x80, $0x38;
	[tilespmem:$0x4080] =	vst v63  }
0x8: {  	_ =	swait.ge [sflag:s3], $0x80  }
0x9: {  	s6 =	simm.s32 $0x80;
	[sflag:s3] =	ssyncset.done $0x0  }
0xa: {  	s7 =	simm.s32 $0x1;
	s5 =	sadd.s32 $0xD400, s8;
	[sflag:s3] =	ssyncadd.s32 $0xFFFFFF80  }
0xb: {  	[tilespmem:s6], [sflag:$0x1] =	stream.indirect.gather [hbm4b:s5+s6], $0x80, s2, s6, $0xb8;
	[tilespmem:$0x4080] =	vst v63  }
0xc: {  	_ =	swait.ge [sflag:s7], $0x4000  }
0xd: {  	s19 =	sadd.s32 $0x86000, s8;
	s28 =	sshll.u32 s20, $0x4;
	[sflag:s7] =	ssyncset.done $0x0  }
0xe: {  	s8 =	sadd.s32 s19, s28;
	[sflag:s7] =	ssyncadd.s32 $0xFFFFC000  }
0xf: {  	[hbm4b:s8+s2] =	stream.linear.scatter [tilespmem:s6], [sflag:$0x2], $0x4000, $0x38;
	[tilespmem:$0x4080] =	vst v63  }
0x10: {  	s10 =	sor.u32 $0x2000, s20;
	_ =	swait.ge [sflag:s3], $0x4000  }
0x11: {  	s9 =	sshrl.u32 s10, $0x3;
	[sflag:s3] =	ssyncset.done $0x0  }
0x12: {  	s9 =	sadd.s32 s17, s9;
	[sflag:s3] =	ssyncadd.s32 $0xFFFFC000  }
0x13: {  	[tilespmem:s2], [sflag:$0x2] =	stream.linear.gather [hbm4b:s9+s2], $0x80, $0x38;
	[tilespmem:$0x4080] =	vst v63  }
0x14: {  	_ =	swait.ge [sflag:s3], $0x80  }
0x15: {  	[sflag:s3] =	ssyncset.done $0x0  }
0x16: {  	[sflag:s3] =	ssyncadd.s32 $0xFFFFFF80  }
0x17: {  	[tilespmem:s6], [sflag:$0x1] =	stream.indirect.gather [hbm4b:s5+s6], $0x80, s2, s6, $0xb8;
	[tilespmem:$0x4080] =	vst v63  }
0x18: {  	_ =	swait.ge [sflag:s7], $0x4000  }
0x19: {  	s10 =	sshll.u32 s10, $0x4;
	[sflag:s7] =	ssyncset.done $0x0  }
0x1a: {  	s10 =	sadd.s32 s19, s10;
	[sflag:s7] =	ssyncadd.s32 $0xFFFFC000  }
0x1b: {  	[hbm4b:s10+s2] =	stream.linear.scatter [tilespmem:s6], [sflag:$0x2], $0x4000, $0x38;
	[tilespmem:$0x4080] =	vst v63  }
0x1c: {  	s12 =	sor.u32 $0x4000, s20;
	_ =	swait.ge [sflag:s3], $0x4000  }
0x1d: {  	s11 =	sshrl.u32 s12, $0x3;
	[sflag:s3] =	ssyncset.done $0x0  }
0x1e: {  	s11 =	sadd.s32 s17, s11;
	[sflag:s3] =	ssyncadd.s32 $0xFFFFC000  }
0x1f: {  	[tilespmem:s2], [sflag:$0x2] =	stream.linear.gather [hbm4b:s11+s2], $0x80, $0x38;
	[tilespmem:$0x4080] =	vst v63  }
0x20: {  	_ =	swait.ge [sflag:s3], $0x80  }
0x21: {  	[sflag:s3] =	ssyncset.done $0x0  }
0x22: {  	[sflag:s3] =	ssyncadd.s32 $0xFFFFFF80  }
0x23: {  	[tilespmem:s6], [sflag:$0x1] =	stream.indirect.gather [hbm4b:s5+s6], $0x80, s2, s6, $0xb8;
	[tilespmem:$0x4080] =	vst v63  }
0x24: {  	_ =	swait.ge [sflag:s7], $0x4000  }
0x25: {  	s12 =	sshll.u32 s12, $0x4;
	[sflag:s7] =	ssyncset.done $0x0  }
0x26: {  	s12 =	sadd.s32 s19, s12;
	[sflag:s7] =	ssyncadd.s32 $0xFFFFC000  }
0x27: {  	[hbm4b:s12+s2] =	stream.linear.scatter [tilespmem:s6], [sflag:$0x2], $0x4000, $0x38;
	[tilespmem:$0x4080] =	vst v63  }
0x28: {  	s14 =	sor.u32 $0x80, s20;
	_ =	swait.ge [sflag:s3], $0x4000  }
0x29: {  	s13 =	sshrl.u32 s14, $0x3;
	[sflag:s3] =	ssyncset.done $0x0  }
0x2a: {  	s13 =	sadd.s32 s17, s13;
	[sflag:s3] =	ssyncadd.s32 $0xFFFFC000  }
0x2b: {  	[tilespmem:s2], [sflag:$0x2] =	stream.linear.gather [hbm4b:s13+s2], $0x80, $0x38;
	[tilespmem:$0x4080] =	vst v63  }
0x2c: {  	_ =	swait.ge [sflag:s3], $0x80  }
0x2d: {  	[sflag:s3] =	ssyncset.done $0x0  }
0x2e: {  	[sflag:s3] =	ssyncadd.s32 $0xFFFFFF80  }
0x2f: {  	[tilespmem:s6], [sflag:$0x1] =	stream.indirect.gather [hbm4b:s5+s6], $0x80, s2, s6, $0xb8;
	[tilespmem:$0x4080] =	vst v63  }
0x30: {  	_ =	swait.ge [sflag:s7], $0x4000  }
0x31: {  	s14 =	sshll.u32 s14, $0x4;
	[sflag:s7] =	ssyncset.done $0x0  }
0x32: {  	s14 =	sadd.s32 s19, s14;
	[sflag:s7] =	ssyncadd.s32 $0xFFFFC000  }
0x33: {  	[hbm4b:s14+s2] =	stream.linear.scatter [tilespmem:s6], [sflag:$0x2], $0x4000, $0x38;
	[tilespmem:$0x4080] =	vst v63  }
0x34: {  	s16 =	sor.u32 $0x2080, s20;
	_ =	swait.ge [sflag:s3], $0x4000  }
0x35: {  	s15 =	sshrl.u32 s16, $0x3;
	[sflag:s3] =	ssyncset.done $0x0  }
0x36: {  	s15 =	sadd.s32 s17, s15;
	[sflag:s3] =	ssyncadd.s32 $0xFFFFC000  }
0x37: {  	[tilespmem:s2], [sflag:$0x2] =	stream.linear.gather [hbm4b:s15+s2], $0x80, $0x38;
	[tilespmem:$0x4080] =	vst v63  }
0x38: {  	_ =	swait.ge [sflag:s3], $0x80  }
0x39: {  	[sflag:s3] =	ssyncset.done $0x0  }
0x3a: {  	[sflag:s3] =	ssyncadd.s32 $0xFFFFFF80  }
0x3b: {  	[tilespmem:s6], [sflag:$0x1] =	stream.indirect.gather [hbm4b:s5+s6], $0x80, s2, s6, $0xb8;
	[tilespmem:$0x4080] =	vst v63  }
0x3c: {  	_ =	swait.ge [sflag:s7], $0x4000  }
0x3d: {  	s16 =	sshll.u32 s16, $0x4;
	[sflag:s7] =	ssyncset.done $0x0  }
0x3e: {  	s16 =	sadd.s32 s19, s16;
	[sflag:s7] =	ssyncadd.s32 $0xFFFFC000  }
0x3f: {  	[hbm4b:s16+s2] =	stream.linear.scatter [tilespmem:s6], [sflag:$0x2], $0x4000, $0x38;
	[tilespmem:$0x4080] =	vst v63  }
0x40: {  	s20 =	sor.u32 $0x4080, s20;
	_ =	swait.ge [sflag:s3], $0x4000  }
0x41: {  	s21 =	sshrl.u32 s20, $0x3;
	[sflag:s3] =	ssyncset.done $0x0  }
0x42: {  	s18 =	ssub.s32 $0x2, s18;
	s17 =	sadd.s32 s17, s21;
	[sflag:s3] =	ssyncadd.s32 $0xFFFFC000  }
0x43: {  	[tilespmem:s2], [sflag:$0x2] =	stream.linear.gather [hbm4b:s17+s2], $0x80, $0x38;
	[tilespmem:$0x4080] =	vst v63  }
0x44: {  	s29 =	sshrl.u32 s18, $0x1;
	_ =	swait.ge [sflag:s3], $0x80  }
0x45: {  	s21 =	ssub.s32 s18, s29;
	[sflag:s3] =	ssyncset.done $0x0  }
0x46: {  	s31 =	smax.u32 s21, $0x1;
	[sflag:s3] =	ssyncadd.s32 $0xFFFFFF80  }
0x47: {  	[tilespmem:s6], [sflag:$0x1] =	stream.indirect.gather [hbm4b:s5+s6], $0x80, s2, s6, $0xb8;
	[tilespmem:$0x4080] =	vst v63  }
0x48: {  	p0 =	sne.s32 s31, $0x1;
	_ =	swait.ge [sflag:s7], $0x4000  }
.Ltmp0:
0x49: {  	s30 =	sshll.u32 s20, $0x4;
	[sflag:s7] =	ssyncset.done $0x0;
	(pc) =	sbr.rel @!p0 .LBB2_2-.Ltmp0, $4  }
0x4a: {  	s18 =	sadd.s32 s19, s30;
	[sflag:s7] =	ssyncadd.s32 $0xFFFFC000  }
0x4b: {  	[hbm4b:s18+s2] =	stream.linear.scatter [tilespmem:s6], [sflag:$0x2], $0x4000, $0x38;
	[tilespmem:$0x4080] =	vst v63  }
0x4c: {  	_ =	swait.ge [sflag:s3], $0x4000  }
0x4d: {  	s19 =	sadd.s32 $0xFFFFFFFF, s31;
	[sflag:s3] =	ssyncset.done $0x0  }
.LBB2_1:
0x4e: {  	p0 =	sne.s32 s19, $0x1;
	s19 =	sadd.s32 $0xFFFFFFFF, s19;
	[sflag:s3] =	ssyncadd.s32 $0xFFFFC000  }
0x4f: {  	[tilespmem:s2], [sflag:$0x2] =	stream.linear.gather [hbm4b:s4+s2], $0x80, $0x38;
	[tilespmem:$0x4080] =	vst v63  }
0x50: {  	_ =	swait.ge [sflag:s3], $0x80  }
0x51: {  	[sflag:s3] =	ssyncset.done $0x0  }
0x52: {  	[sflag:s3] =	ssyncadd.s32 $0xFFFFFF80  }
0x53: {  	[tilespmem:s6], [sflag:$0x1] =	stream.indirect.gather [hbm4b:s5+s6], $0x80, s2, s6, $0xb8;
	[tilespmem:$0x4080] =	vst v63  }
0x54: {  	_ =	swait.ge [sflag:s7], $0x4000  }
0x55: {  	[sflag:s7] =	ssyncset.done $0x0  }
0x56: {  	[sflag:s7] =	ssyncadd.s32 $0xFFFFC000  }
0x57: {  	[hbm4b:s8+s2] =	stream.linear.scatter [tilespmem:s6], [sflag:$0x2], $0x4000, $0x38;
	[tilespmem:$0x4080] =	vst v63  }
0x58: {  	_ =	swait.ge [sflag:s3], $0x4000  }
0x59: {  	[sflag:s3] =	ssyncset.done $0x0  }
0x5a: {  	[sflag:s3] =	ssyncadd.s32 $0xFFFFC000  }
0x5b: {  	[tilespmem:s2], [sflag:$0x2] =	stream.linear.gather [hbm4b:s9+s2], $0x80, $0x38;
	[tilespmem:$0x4080] =	vst v63  }
0x5c: {  	_ =	swait.ge [sflag:s3], $0x80  }
0x5d: {  	[sflag:s3] =	ssyncset.done $0x0  }
0x5e: {  	[sflag:s3] =	ssyncadd.s32 $0xFFFFFF80  }
0x5f: {  	[tilespmem:s6], [sflag:$0x1] =	stream.indirect.gather [hbm4b:s5+s6], $0x80, s2, s6, $0xb8;
	[tilespmem:$0x4080] =	vst v63  }
0x60: {  	_ =	swait.ge [sflag:s7], $0x4000  }
0x61: {  	[sflag:s7] =	ssyncset.done $0x0  }
0x62: {  	[sflag:s7] =	ssyncadd.s32 $0xFFFFC000  }
0x63: {  	[hbm4b:s10+s2] =	stream.linear.scatter [tilespmem:s6], [sflag:$0x2], $0x4000, $0x38;
	[tilespmem:$0x4080] =	vst v63  }
0x64: {  	_ =	swait.ge [sflag:s3], $0x4000  }
0x65: {  	[sflag:s3] =	ssyncset.done $0x0  }
0x66: {  	[sflag:s3] =	ssyncadd.s32 $0xFFFFC000  }
0x67: {  	[tilespmem:s2], [sflag:$0x2] =	stream.linear.gather [hbm4b:s11+s2], $0x80, $0x38;
	[tilespmem:$0x4080] =	vst v63  }
0x68: {  	_ =	swait.ge [sflag:s3], $0x80  }
0x69: {  	[sflag:s3] =	ssyncset.done $0x0  }
0x6a: {  	[sflag:s3] =	ssyncadd.s32 $0xFFFFFF80  }
0x6b: {  	[tilespmem:s6], [sflag:$0x1] =	stream.indirect.gather [hbm4b:s5+s6], $0x80, s2, s6, $0xb8;
	[tilespmem:$0x4080] =	vst v63  }
0x6c: {  	_ =	swait.ge [sflag:s7], $0x4000  }
0x6d: {  	[sflag:s7] =	ssyncset.done $0x0  }
0x6e: {  	[sflag:s7] =	ssyncadd.s32 $0xFFFFC000  }
0x6f: {  	[hbm4b:s12+s2] =	stream.linear.scatter [tilespmem:s6], [sflag:$0x2], $0x4000, $0x38;
	[tilespmem:$0x4080] =	vst v63  }
0x70: {  	_ =	swait.ge [sflag:s3], $0x4000  }
0x71: {  	[sflag:s3] =	ssyncset.done $0x0  }
0x72: {  	[sflag:s3] =	ssyncadd.s32 $0xFFFFC000  }
0x73: {  	[tilespmem:s2], [sflag:$0x2] =	stream.linear.gather [hbm4b:s13+s2], $0x80, $0x38;
	[tilespmem:$0x4080] =	vst v63  }
0x74: {  	_ =	swait.ge [sflag:s3], $0x80  }
0x75: {  	[sflag:s3] =	ssyncset.done $0x0  }
0x76: {  	[sflag:s3] =	ssyncadd.s32 $0xFFFFFF80  }
0x77: {  	[tilespmem:s6], [sflag:$0x1] =	stream.indirect.gather [hbm4b:s5+s6], $0x80, s2, s6, $0xb8;
	[tilespmem:$0x4080] =	vst v63  }
0x78: {  	_ =	swait.ge [sflag:s7], $0x4000  }
0x79: {  	[sflag:s7] =	ssyncset.done $0x0  }
0x7a: {  	[sflag:s7] =	ssyncadd.s32 $0xFFFFC000  }
0x7b: {  	[hbm4b:s14+s2] =	stream.linear.scatter [tilespmem:s6], [sflag:$0x2], $0x4000, $0x38;
	[tilespmem:$0x4080] =	vst v63  }
0x7c: {  	_ =	swait.ge [sflag:s3], $0x4000  }
0x7d: {  	[sflag:s3] =	ssyncset.done $0x0  }
0x7e: {  	[sflag:s3] =	ssyncadd.s32 $0xFFFFC000  }
0x7f: {  	[tilespmem:s2], [sflag:$0x2] =	stream.linear.gather [hbm4b:s15+s2], $0x80, $0x38;
	[tilespmem:$0x4080] =	vst v63  }
0x80: {  	_ =	swait.ge [sflag:s3], $0x80  }
0x81: {  	[sflag:s3] =	ssyncset.done $0x0  }
0x82: {  	[sflag:s3] =	ssyncadd.s32 $0xFFFFFF80  }
0x83: {  	[tilespmem:s6], [sflag:$0x1] =	stream.indirect.gather [hbm4b:s5+s6], $0x80, s2, s6, $0xb8;
	[tilespmem:$0x4080] =	vst v63  }
0x84: {  	_ =	swait.ge [sflag:s7], $0x4000  }
0x85: {  	[sflag:s7] =	ssyncset.done $0x0  }
0x86: {  	[sflag:s7] =	ssyncadd.s32 $0xFFFFC000  }
0x87: {  	[hbm4b:s16+s2] =	stream.linear.scatter [tilespmem:s6], [sflag:$0x2], $0x4000, $0x38;
	[tilespmem:$0x4080] =	vst v63  }
0x88: {  	_ =	swait.ge [sflag:s3], $0x4000  }
0x89: {  	[sflag:s3] =	ssyncset.done $0x0  }
0x8a: {  	[sflag:s3] =	ssyncadd.s32 $0xFFFFC000  }
0x8b: {  	[tilespmem:s2], [sflag:$0x2] =	stream.linear.gather [hbm4b:s17+s2], $0x80, $0x38;
	[tilespmem:$0x4080] =	vst v63  }
0x8c: {  	_ =	swait.ge [sflag:s3], $0x80  }
0x8d: {  	[sflag:s3] =	ssyncset.done $0x0  }
0x8e: {  	[sflag:s3] =	ssyncadd.s32 $0xFFFFFF80  }
0x8f: {  	[tilespmem:s6], [sflag:$0x1] =	stream.indirect.gather [hbm4b:s5+s6], $0x80, s2, s6, $0xb8;
	[tilespmem:$0x4080] =	vst v63  }
0x90: {  	_ =	swait.ge [sflag:s7], $0x4000  }
.Ltmp1:
0x91: {  	[sflag:s7] =	ssyncset.done $0x0;
	(pc) =	sbr.rel @p0 .LBB2_1-.Ltmp1, $4  }
0x92: {  	[sflag:s7] =	ssyncadd.s32 $0xFFFFC000  }
0x93: {  	[hbm4b:s18+s2] =	stream.linear.scatter [tilespmem:s6], [sflag:$0x2], $0x4000, $0x38;
	[tilespmem:$0x4080] =	vst v63  }
0x94: {  	_ =	swait.ge [sflag:s3], $0x4000  }
0x95: {  	[sflag:s3] =	ssyncset.done $0x0  }
.LBB2_2:
0x96: {  	[sflag:s3] =	ssyncadd.s32 $0xFFFFC000  }
0x97: {  	_ =	sfence.sel $0x180000  }
0x98: {  	[bflag:$0x0] =	sbarrier.arrive $0xFFFF  }
0x99: {  	p0 =	sne.s32 s0, $0x0;
	_ =	strace $0x9000004A  }
0x9a: {  	s0 =	sadd.s32 @!p0 $0x100000, s1;
	[bflag:$0x2] =	sbarrier.arrive $0xFFFF  }
0x9b: {  	[sflag:s0] =	ssyncadd.tile.s32 @!p0 $0x1;
	_ =	shalt  }
.Lfunc_end2:
_tile_overlayer_lowered:
.L_overlay_start_2:
0x9c: {  	(tag) =	ssettag $0x2  }
0x9d: {  	s0 =	rddreg [dreg:$0x0];
	s2 =	stileid.u32  }
0x9e: {  	s1 =	rddreg [dreg:$0x1];
	p0 =	sne.s32 s2, $0x0  }
0x9f: {  	s3 =	rddreg [dreg:$0x2];
	[bflag:$0x3] =	sbarrier.arrive $0xFFFF;
	s2 =	simm.s32 @!p0 $0x1C02  }
0xa0: {  	[timem:s3], [sflag:s2] =	dma.local @!p0 [hbm:s0], s1  }
0xa1: {  	s0 =	simm.s32 @!p0 $0x2  }
0xa2: {  	_ =	swait.ge @!p0 [sflag:s0], s1  }
0xa3: {  	s1 =	ssub.s32 @!p0 $0x0, s1;
	[sflag:s0] =	ssyncset.done @!p0 $0x0  }
0xa4: {  	[sflag:s0] =	ssyncadd.s32 @!p0 s1  }
0xa5: {  	[bflag:$0x3] =	sbarrier.arrive $0xFFFF  }
0xa6: {  	_ =	shalt  }

// kernel: kernel.21.cloned.1.call-start
scs
__scs_entry_jumppad:
0x0: {  	(pc) =	sbr.rel $0x88, $3  }
0x1: {  	(tag) =	ssettag $0x0;
	lr =	simm.s32 $0x1  }
0x2: {  	[smem:$0x3F9A] =	sst lr;
	_ =	strace $0xD0000000  }
0x3: {  	_ = 	snop  }
0x4: {  	_ = 	snop  }
0x5: {  	_ = 	snop  }
0x6: {  	_ = 	snop  }
0x7: {  	_ = 	snop  }
__scs_overlays_trampoline_lowered:
0x8: {  	[smem:$0x3FA9] =	sst s0  }
0x9: {  	[smem:$0x3FAA] =	sst s1  }
0xa: {  	[smem:$0x3FAB] =	sst s2  }
0xb: {  	[smem:$0x3FAC] =	sst s3  }
0xc: {  	[smem:$0x3FAD] =	sst s4  }
0xd: {  	[smem:$0x3FAE] =	sst s5  }
0xe: {  	[smem:$0x3FAF] =	sst s6  }
0xf: {  	[smem:$0x3FB0] =	sst s7  }
0x10: {  	[smem:$0x3FB1] =	sst s8  }
0x11: {  	[smem:$0x3FB2] =	sst s9;
	s0 =	simm.s32 @!p0 $0x0  }
0x12: {  	s1 =	sld [smem:$0x3F98];
	s0 =	simm.s32 @p0 $0x1  }
0x13: {  	[smem:$0x3FB3] =	sst s0;
	s0 =	simm.s32 @!p1 $0x0  }
0x14: {  	s2 =	sld [smem:$0x3F97];
	s0 =	simm.s32 @p1 $0x1  }
0x15: {  	[smem:$0x3FB4] =	sst s0;
	s0 =	simm.s32 @!p2 $0x0  }
0x16: {  	s3 =	sld [smem:$0x3FDB];
	s0 =	simm.s32 @p2 $0x1  }
0x17: {  	s4 =	simm.s32 $0x1BF5;
	[smem:$0x3FB6] =	sst s0  }
0x18: {  	s0 =	sld [smem:$0x3F99];
	_ =	swait.ge [sflag:s4], $0x0  }
0x19: {  	s7 =	sld [smem:$0x3F9A]  }
0x1a: {  	s8 =	sadd.s32 $0xFFFFE003, lr  }
0x1b: {  	s9 =	sadd.s32 $0xFFFFFEF7, lr;
	s5 =	simm.s32 $0xFFFFFFFF;
	p2 =	slt.u32 s8, $0xFFFFF086  }
0x1c: {  	p1 =	slt.u32 s9, $0xF7A;
	s5 =	simm.s32 @!p2 $0x0  }
0x1d: {  	s5 =	simm.s32 @p1 $0x1;
	p0 =	seq.s32 s7, s2  }
0x1e: {  	s7 =	smul.u32 @!p0 $0xF7A, s2;
	p2 =	seq.s32 @!p0 s5, $0x0  }
0x1f: {  	s9 =	smul.u32 $0xF7A, s1;
	s8 =	simm.s32 @!p0 $0x1BF5;
	p2 =	por !p2, p0  }
0x20: {  	[sflag:s8] =	ssyncset.s32 @!p0 $0xFFFFF086;
	s6 =	sadd.s32 @!p0 s3, s7;
	s7 =	simm.s32 @!p0 $0x108  }
0x21: {  	s3 =	sadd.s32 s3, s9;
	s6 =	sadd.s32 @!p0 $0x88, s6;
	s7 =	simm.s32 @p2 $0x1082  }
0x22: {  	[simem:s7], [sflag:s8] =	dma.local @!p0 [hbm:s6], $0xF7A  }
0x23: {  	s9 =	sor.u32 $0xD0000000, s2;
	s6 =	simm.s32 $0x108;
	_ =	swait.ge @!p0 [sflag:s8], $0x0  }
0x24: {  	s3 =	sadd.s32 $0x88, s3;
	s6 =	simm.s32 @!p1 $0x1082;
	[sflag:s4] =	ssyncset.s32 $0xFFFFF086  }
0x25: {  	[simem:s6], [sflag:s4] =	dma.local [hbm:s3], $0xF7A  }
0x26: {  	[smem:$0x3F9A] =	sst s1;
	(tag) =	ssettag s2;
	_ =	strace s9  }
0x27: {  	s1 =	sld [smem:$0x3FAA]  }
0x28: {  	s2 =	sld [smem:$0x3FAB]  }
0x29: {  	s4 =	sld [smem:$0x3FAD]  }
0x2a: {  	p0 =	seq.s32 s5, $0x0;
	s5 =	sld [smem:$0x3FAE]  }
0x2b: {  	s6 =	sld [smem:$0x3FAF]  }
0x2c: {  	s7 =	sld [smem:$0x3FB0]  }
0x2d: {  	s3 =	simm.s32 $0x108;
	s8 =	sld [smem:$0x3FB1]  }
0x2e: {  	s3 =	simm.s32 @!p0 $0x1082;
	s9 =	sld [smem:$0x3FB2]  }
0x2f: {  	lr =	sadd.s32 s0, s3;
	s0 =	sld [smem:$0x3FA9]  }
0x30: {  	s3 =	sld [smem:$0x3FAC]  }
0x31: {  	[smem:$0x3FB5] =	sst s10  }
0x32: {  	s10 =	sld [smem:$0x3FB3];
	_ =	sdelay $0x3  }
0x33: {  	p0 =	seq.s32 s10, $0x1;
	s10 =	sld [smem:$0x3FB5];
	_ =	sdelay $0x3  }
0x34: {  	[smem:$0x3FB5] =	sst s10  }
0x35: {  	s10 =	sld [smem:$0x3FB4];
	_ =	sdelay $0x3  }
0x36: {  	p1 =	seq.s32 s10, $0x1;
	s10 =	sld [smem:$0x3FB5];
	_ =	sdelay $0x3  }
0x37: {  	[smem:$0x3FB5] =	sst s10  }
0x38: {  	s10 =	sld [smem:$0x3FB6]  }
0x39: {  	_ = 	snop;
	(pc) =	sbr.ind lr, $3  }
0x3a: {  	_ = 	snop  }
0x3b: {  	_ = 	snop  }
0x3c: {  	p2 =	seq.s32 s10, $0x1;
	s10 =	sld [smem:$0x3FB5]  }
0x3d: {  	_ =	shalt  }
0x3e: {  	_ =	shalt  }
0x3f: {  	_ =	shalt  }
0x40: {  	_ =	shalt  }
0x41: {  	_ =	shalt  }
0x42: {  	_ =	shalt  }
0x43: {  	_ =	shalt  }
0x44: {  	_ =	shalt  }
0x45: {  	_ =	shalt  }
0x46: {  	_ =	shalt  }
0x47: {  	_ =	shalt  }
0x48: {  	_ =	shalt  }
0x49: {  	_ =	shalt  }
0x4a: {  	_ =	shalt  }
0x4b: {  	_ =	shalt  }
0x4c: {  	_ =	shalt  }
0x4d: {  	_ =	shalt  }
0x4e: {  	_ =	shalt  }
0x4f: {  	_ =	shalt  }
0x50: {  	_ =	shalt  }
0x51: {  	_ =	shalt  }
0x52: {  	_ =	shalt  }
0x53: {  	_ =	shalt  }
0x54: {  	_ =	shalt  }
0x55: {  	_ =	shalt  }
0x56: {  	_ =	shalt  }
0x57: {  	_ =	shalt  }
0x58: {  	_ =	shalt  }
0x59: {  	_ =	shalt  }
0x5a: {  	_ =	shalt  }
0x5b: {  	_ =	shalt  }
0x5c: {  	_ =	shalt  }
0x5d: {  	_ =	shalt  }
0x5e: {  	_ =	shalt  }
0x5f: {  	_ =	shalt  }
0x60: {  	_ =	shalt  }
0x61: {  	_ =	shalt  }
0x62: {  	_ =	shalt  }
0x63: {  	_ =	shalt  }
0x64: {  	_ =	shalt  }
0x65: {  	_ =	shalt  }
0x66: {  	_ =	shalt  }
0x67: {  	_ =	shalt  }
0x68: {  	_ =	shalt  }
0x69: {  	_ =	shalt  }
0x6a: {  	_ =	shalt  }
0x6b: {  	_ =	shalt  }
0x6c: {  	_ =	shalt  }
0x6d: {  	_ =	shalt  }
0x6e: {  	_ =	shalt  }
0x6f: {  	_ =	shalt  }
0x70: {  	_ =	shalt  }
0x71: {  	_ =	shalt  }
0x72: {  	_ =	shalt  }
0x73: {  	_ =	shalt  }
0x74: {  	_ =	shalt  }
0x75: {  	_ =	shalt  }
0x76: {  	_ =	shalt  }
0x77: {  	_ =	shalt  }
0x78: {  	_ =	shalt  }
0x79: {  	_ =	shalt  }
0x7a: {  	_ =	shalt  }
0x7b: {  	_ =	shalt  }
0x7c: {  	_ =	shalt  }
0x7d: {  	_ =	shalt  }
0x7e: {  	_ =	shalt  }
0x7f: {  	_ =	shalt  }
0x80: {  	_ =	shalt  }
0x81: {  	_ =	shalt  }
0x82: {  	_ =	shalt  }
0x83: {  	_ =	shalt  }
0x84: {  	_ =	shalt  }
0x85: {  	_ =	shalt  }
0x86: {  	_ =	shalt  }
0x87: {  	_ =	shalt  }
.Lfunc_end0:
.L_simem_size_0:
called_computation.1_lowered:
.L_overlay_start_0:
0x88: {  	s2 =	sld [smem:$0x3FD9]  }
0x89: {  	s3 =	sld [smem:$0x3FFE];
	_ =	sdelay $0x1  }
0x8a: {  	s1 =	srdreg.scid  }
0x8b: {  	s0 =	sand.u32 $0x1, s1  }
0x8c: {  	s16 =	sshll.u32 s0, $0xA;
	s2 =	sadd.s32 s3, s2  }
0x8d: {  	s2 =	sadd.s32 s2, s16  }
0x8e: {  	[smem:$0x3FC1] =	sst s2  }
0x8f: {  	_ = 	snop  }
0x90: {  	(tm) =	ssettm $0x1  }
0x91: {  	s17 =	sld [smem:$0x3FFB];
	_ =	sdelay $0x3  }
0x92: {  	_ =	strace s17  }
0x93: {  	s2 =	sld [smem:$0x3FFC];
	_ =	sdelay $0x3  }
0x94: {  	_ =	strace s2  }
0x95: {  	s2 =	sld [smem:$0x3FFD];
	_ =	sdelay $0x3  }
0x96: {  	_ =	strace s2  }
0x97: {  	_ =	strace $0x8FFFFFFF  }
0x98: {  	s18 =	sld [smem:$0x3FDB];
	_ =	sdelay $0x1  }
0x99: {  	s19 =	simm.s32 $_scs_section_size  }
0x9a: {  	s4 =	simm.s32 $_size__tile_overlayer_lowered;
	s5 =	simm.s32 $_tile_overlayer_lowered  }
0x9b: {  	s22 =	simm.s32 $0x1BFF;
	s21 =	sshll.u32 s5, $0x1;
	s2 =	sadd.s32 s19, s18  }
0x9c: {  	s6 =	simm.s32 $0x0;
	s20 =	sshll.u32 s4, $0x1;
	s4 =	sadd.s32 s21, s2  }
0x9d: {  	[timem:s6], [sflag:s22] =	dma.local [hbm:s4], s20  }
0x9e: {  	_ =	swait.ge [sflag:s22], s20  }
0x9f: {  	s3 =	ssub.s32 $0x0, s20;
	[sflag:s22] =	ssyncset.done $0x0  }
0xa0: {  	[sflag:s22] =	ssyncadd.s32 s3;
	_ =	sdelay $0x1  }
0xa1: {  	s23 =	simm.s32 $0x1B8B  }
0xa2: {  	_ =	swait.ge [sflag:s23], $0x1  }
0xa3: {  	[sflag:s23] =	ssyncset.done $0x0  }
0xa4: {  	s25 =	simm.s32 $0x1B8E;
	s24 =	sld [smem:$0x3FFE];
	[sflag:s23] =	ssyncadd.s32 $0xFFFFFFFF  }
0xa5: {  	s26 =	simm.s32 $execute0_lowered;
	[smem:$0x3FD2] =	sst s25  }
0xa6: {  	s4 =	sshll.u32 s26, $0x1;
	_ =	strace $0x80000046;
	[dreg:$0x1] =	wrdreg $0xFFFFFFFF  }
0xa7: {  	s28 =	simm.s32 $_size_execute0_lowered;
	s2 =	sadd.s32 s2, s4;
	[dreg:$0x0] =	wrdreg $0x0  }
0xa8: {  	s4 =	sshll.u32 s28, $0x1;
	[dreg:$0x2] =	wrdreg s2  }
0xa9: {  	[dreg:$0x3] =	wrdreg s4  }
0xaa: {  	[dreg:$0x4] =	wrdreg $0xC0  }
0xab: {  	_ =	task [dreg:s6], $0x5FFFF  }
0xac: {  	[dreg:$0x1] =	wrdreg $0xFFFFFFFF  }
0xad: {  	[dreg:$0x0] =	wrdreg $0x60  }
0xae: {  	[dreg:$0x2] =	wrdreg s24  }
0xaf: {  	[dreg:$0x3] =	wrdreg $0xA  }
0xb0: {  	_ =	task.clear_ibuf [dreg:s6], $0x4FFFF;
	_ =	strace $0x90000046  }
0xb1: {  	s29 =	simm.s32 $0xA;
	_ =	strace $0x80000048  }
0xb2: {  	_ =	swait.ge [sflag:s29], $0x1  }
0xb3: {  	[sflag:s29] =	ssyncadd.s32 $0xFFFFFFFF  }
0xb4: {  	_ =	strace $0x90000048  }
0xb5: {  	_ =	sfence  }
0xb6: {  	s30 =	sld [smem:$0x0];
	_ =	sdelay $0x2  }
0xb7: {  	s31 =	sshll.u32 s1, $0xD;
	s1 =	sshrl.u32 s1, $0x2  }
0xb8: {  	s3 =	sand.u32 $0x4000, s31;
	s1 =	sadd.s32 s1, s30  }
0xb9: {  	s0 =	sor.u32 s3, s0;
	s1 =	sshll.u32 s1, $0x11  }
0xba: {  	s0 =	sor.u32 s1, s0  }
0xbb: {  	s0 =	sadd.s32 $0x8F2B, s0  }
0xbc: {  	[sflag:s0] =	ssyncadd.remote.s32 $0x1  }
0xbd: {  	_ =	sfence.sel $0xFFFF  }
0xbe: {  	[dreg:$0x0] =	wrdreg $0xFFFFFFFF;
	(pc) =	sbr.abs _section_cstart, $3  }
0xbf: {  	[dreg:$0x1] =	wrdreg $0xFFFFFFFF  }
0xc0: {  	_ =	task.clear_ibuf [dreg:s6], $0x2FFFF;
	_ =	strace $0x9FFFFFFF  }
0xc1: {  	(tm) =	ssettm $0x7FFFFFFF  }
tec
execute0_lowered:
.L_overlay_start_1:
0x0: {  	(tag) =	ssettag $0x1  }
0x1: {  	s1 =	srdreg.scid  }
0x2: {  	s0 =	stileid.u32;
	s18 =	sand.u32 $0x1, s1  }
0x3: {  	s8 =	rddreg [dreg:$0x0];
	s3 =	sshll.u32 s0, $0x9;
	s4 =	sshll.u32 s18, $0x8  }
0x4: {  	s2 =	simm.s32 $0x0;
	s1 =	rddreg [dreg:$0x1];
	s20 =	sor.u32 s4, s3  }
0x5: {  	[smem:$0x7FF] =	sst s2;
	s17 =	sadd.s32 $0x4800, s8;
	s3 =	sshrl.u32 s20, $0x3  }
0x6: {  	_ =	strace $0x80000047;
	s4 =	sadd.s32 s17, s3;
	s3 =	simm.s32 $0x2  }
0x7: {  	[tilespmem:s2], [sflag:$0x2] =	stream.linear.gather [hbm4b:s4+s2], $0x80, $0x38;
	[tilespmem:$0x4080] =	vst v63  }
0x8: {  	_ =	swait.ge [sflag:s3], $0x80  }
0x9: {  	s6 =	simm.s32 $0x80;
	[sflag:s3] =	ssyncset.done $0x0  }
0xa: {  	s7 =	simm.s32 $0x1;
	s5 =	sadd.s32 $0x5400, s8;
	[sflag:s3] =	ssyncadd.s32 $0xFFFFFF80  }
0xb: {  	[tilespmem:s6], [sflag:$0x1] =	stream.indirect.gather [hbm4b:s5+s6], $0x80, s2, s6, $0xb8;
	[tilespmem:$0x4080] =	vst v63  }
0xc: {  	_ =	swait.ge [sflag:s7], $0x4000  }
0xd: {  	s19 =	sadd.s32 $0x25400, s8;
	s28 =	sshll.u32 s20, $0x4;
	[sflag:s7] =	ssyncset.done $0x0  }
0xe: {  	s8 =	sadd.s32 s19, s28;
	[sflag:s7] =	ssyncadd.s32 $0xFFFFC000  }
0xf: {  	[hbm4b:s8+s2] =	stream.linear.scatter [tilespmem:s6], [sflag:$0x2], $0x4000, $0x38;
	[tilespmem:$0x4080] =	vst v63  }
0x10: {  	s10 =	sor.u32 $0x2000, s20;
	_ =	swait.ge [sflag:s3], $0x4000  }
0x11: {  	s9 =	sshrl.u32 s10, $0x3;
	[sflag:s3] =	ssyncset.done $0x0  }
0x12: {  	s9 =	sadd.s32 s17, s9;
	[sflag:s3] =	ssyncadd.s32 $0xFFFFC000  }
0x13: {  	[tilespmem:s2], [sflag:$0x2] =	stream.linear.gather [hbm4b:s9+s2], $0x80, $0x38;
	[tilespmem:$0x4080] =	vst v63  }
0x14: {  	_ =	swait.ge [sflag:s3], $0x80  }
0x15: {  	[sflag:s3] =	ssyncset.done $0x0  }
0x16: {  	[sflag:s3] =	ssyncadd.s32 $0xFFFFFF80  }
0x17: {  	[tilespmem:s6], [sflag:$0x1] =	stream.indirect.gather [hbm4b:s5+s6], $0x80, s2, s6, $0xb8;
	[tilespmem:$0x4080] =	vst v63  }
0x18: {  	_ =	swait.ge [sflag:s7], $0x4000  }
0x19: {  	s10 =	sshll.u32 s10, $0x4;
	[sflag:s7] =	ssyncset.done $0x0  }
0x1a: {  	s10 =	sadd.s32 s19, s10;
	[sflag:s7] =	ssyncadd.s32 $0xFFFFC000  }
0x1b: {  	[hbm4b:s10+s2] =	stream.linear.scatter [tilespmem:s6], [sflag:$0x2], $0x4000, $0x38;
	[tilespmem:$0x4080] =	vst v63  }
0x1c: {  	s12 =	sor.u32 $0x4000, s20;
	_ =	swait.ge [sflag:s3], $0x4000  }
0x1d: {  	s11 =	sshrl.u32 s12, $0x3;
	[sflag:s3] =	ssyncset.done $0x0  }
0x1e: {  	s11 =	sadd.s32 s17, s11;
	[sflag:s3] =	ssyncadd.s32 $0xFFFFC000  }
0x1f: {  	[tilespmem:s2], [sflag:$0x2] =	stream.linear.gather [hbm4b:s11+s2], $0x80, $0x38;
	[tilespmem:$0x4080] =	vst v63  }
0x20: {  	_ =	swait.ge [sflag:s3], $0x80  }
0x21: {  	[sflag:s3] =	ssyncset.done $0x0  }
0x22: {  	[sflag:s3] =	ssyncadd.s32 $0xFFFFFF80  }
0x23: {  	[tilespmem:s6], [sflag:$0x1] =	stream.indirect.gather [hbm4b:s5+s6], $0x80, s2, s6, $0xb8;
	[tilespmem:$0x4080] =	vst v63  }
0x24: {  	_ =	swait.ge [sflag:s7], $0x4000  }
0x25: {  	s12 =	sshll.u32 s12, $0x4;
	[sflag:s7] =	ssyncset.done $0x0  }
0x26: {  	s12 =	sadd.s32 s19, s12;
	[sflag:s7] =	ssyncadd.s32 $0xFFFFC000  }
0x27: {  	[hbm4b:s12+s2] =	stream.linear.scatter [tilespmem:s6], [sflag:$0x2], $0x4000, $0x38;
	[tilespmem:$0x4080] =	vst v63  }
0x28: {  	s14 =	sor.u32 $0x80, s20;
	_ =	swait.ge [sflag:s3], $0x4000  }
0x29: {  	s13 =	sshrl.u32 s14, $0x3;
	[sflag:s3] =	ssyncset.done $0x0  }
0x2a: {  	s13 =	sadd.s32 s17, s13;
	[sflag:s3] =	ssyncadd.s32 $0xFFFFC000  }
0x2b: {  	[tilespmem:s2], [sflag:$0x2] =	stream.linear.gather [hbm4b:s13+s2], $0x80, $0x38;
	[tilespmem:$0x4080] =	vst v63  }
0x2c: {  	_ =	swait.ge [sflag:s3], $0x80  }
0x2d: {  	[sflag:s3] =	ssyncset.done $0x0  }
0x2e: {  	[sflag:s3] =	ssyncadd.s32 $0xFFFFFF80  }
0x2f: {  	[tilespmem:s6], [sflag:$0x1] =	stream.indirect.gather [hbm4b:s5+s6], $0x80, s2, s6, $0xb8;
	[tilespmem:$0x4080] =	vst v63  }
0x30: {  	_ =	swait.ge [sflag:s7], $0x4000  }
0x31: {  	s14 =	sshll.u32 s14, $0x4;
	[sflag:s7] =	ssyncset.done $0x0  }
0x32: {  	s14 =	sadd.s32 s19, s14;
	[sflag:s7] =	ssyncadd.s32 $0xFFFFC000  }
0x33: {  	[hbm4b:s14+s2] =	stream.linear.scatter [tilespmem:s6], [sflag:$0x2], $0x4000, $0x38;
	[tilespmem:$0x4080] =	vst v63  }
0x34: {  	s16 =	sor.u32 $0x2080, s20;
	_ =	swait.ge [sflag:s3], $0x4000  }
0x35: {  	s15 =	sshrl.u32 s16, $0x3;
	[sflag:s3] =	ssyncset.done $0x0  }
0x36: {  	s15 =	sadd.s32 s17, s15;
	[sflag:s3] =	ssyncadd.s32 $0xFFFFC000  }
0x37: {  	[tilespmem:s2], [sflag:$0x2] =	stream.linear.gather [hbm4b:s15+s2], $0x80, $0x38;
	[tilespmem:$0x4080] =	vst v63  }
0x38: {  	_ =	swait.ge [sflag:s3], $0x80  }
0x39: {  	[sflag:s3] =	ssyncset.done $0x0  }
0x3a: {  	[sflag:s3] =	ssyncadd.s32 $0xFFFFFF80  }
0x3b: {  	[tilespmem:s6], [sflag:$0x1] =	stream.indirect.gather [hbm4b:s5+s6], $0x80, s2, s6, $0xb8;
	[tilespmem:$0x4080] =	vst v63  }
0x3c: {  	_ =	swait.ge [sflag:s7], $0x4000  }
0x3d: {  	s16 =	sshll.u32 s16, $0x4;
	[sflag:s7] =	ssyncset.done $0x0  }
0x3e: {  	s16 =	sadd.s32 s19, s16;
	[sflag:s7] =	ssyncadd.s32 $0xFFFFC000  }
0x3f: {  	[hbm4b:s16+s2] =	stream.linear.scatter [tilespmem:s6], [sflag:$0x2], $0x4000, $0x38;
	[tilespmem:$0x4080] =	vst v63  }
0x40: {  	s20 =	sor.u32 $0x4080, s20;
	_ =	swait.ge [sflag:s3], $0x4000  }
0x41: {  	s21 =	sshrl.u32 s20, $0x3;
	[sflag:s3] =	ssyncset.done $0x0  }
0x42: {  	s18 =	ssub.s32 $0x2, s18;
	s17 =	sadd.s32 s17, s21;
	[sflag:s3] =	ssyncadd.s32 $0xFFFFC000  }
0x43: {  	[tilespmem:s2], [sflag:$0x2] =	stream.linear.gather [hbm4b:s17+s2], $0x80, $0x38;
	[tilespmem:$0x4080] =	vst v63  }
0x44: {  	s29 =	sshrl.u32 s18, $0x1;
	_ =	swait.ge [sflag:s3], $0x80  }
0x45: {  	s21 =	ssub.s32 s18, s29;
	[sflag:s3] =	ssyncset.done $0x0  }
0x46: {  	s31 =	smax.u32 s21, $0x1;
	[sflag:s3] =	ssyncadd.s32 $0xFFFFFF80  }
0x47: {  	[tilespmem:s6], [sflag:$0x1] =	stream.indirect.gather [hbm4b:s5+s6], $0x80, s2, s6, $0xb8;
	[tilespmem:$0x4080] =	vst v63  }
0x48: {  	p0 =	sne.s32 s31, $0x1;
	_ =	swait.ge [sflag:s7], $0x4000  }
.Ltmp0:
0x49: {  	s30 =	sshll.u32 s20, $0x4;
	[sflag:s7] =	ssyncset.done $0x0;
	(pc) =	sbr.rel @!p0 .LBB2_2-.Ltmp0, $4  }
0x4a: {  	s18 =	sadd.s32 s19, s30;
	[sflag:s7] =	ssyncadd.s32 $0xFFFFC000  }
0x4b: {  	[hbm4b:s18+s2] =	stream.linear.scatter [tilespmem:s6], [sflag:$0x2], $0x4000, $0x38;
	[tilespmem:$0x4080] =	vst v63  }
0x4c: {  	_ =	swait.ge [sflag:s3], $0x4000  }
0x4d: {  	s19 =	sadd.s32 $0xFFFFFFFF, s31;
	[sflag:s3] =	ssyncset.done $0x0  }
.LBB2_1:
0x4e: {  	p0 =	sne.s32 s19, $0x1;
	s19 =	sadd.s32 $0xFFFFFFFF, s19;
	[sflag:s3] =	ssyncadd.s32 $0xFFFFC000  }
0x4f: {  	[tilespmem:s2], [sflag:$0x2] =	stream.linear.gather [hbm4b:s4+s2], $0x80, $0x38;
	[tilespmem:$0x4080] =	vst v63  }
0x50: {  	_ =	swait.ge [sflag:s3], $0x80  }
0x51: {  	[sflag:s3] =	ssyncset.done $0x0  }
0x52: {  	[sflag:s3] =	ssyncadd.s32 $0xFFFFFF80  }
0x53: {  	[tilespmem:s6], [sflag:$0x1] =	stream.indirect.gather [hbm4b:s5+s6], $0x80, s2, s6, $0xb8;
	[tilespmem:$0x4080] =	vst v63  }
0x54: {  	_ =	swait.ge [sflag:s7], $0x4000  }
0x55: {  	[sflag:s7] =	ssyncset.done $0x0  }
0x56: {  	[sflag:s7] =	ssyncadd.s32 $0xFFFFC000  }
0x57: {  	[hbm4b:s8+s2] =	stream.linear.scatter [tilespmem:s6], [sflag:$0x2], $0x4000, $0x38;
	[tilespmem:$0x4080] =	vst v63  }
0x58: {  	_ =	swait.ge [sflag:s3], $0x4000  }
0x59: {  	[sflag:s3] =	ssyncset.done $0x0  }
0x5a: {  	[sflag:s3] =	ssyncadd.s32 $0xFFFFC000  }
0x5b: {  	[tilespmem:s2], [sflag:$0x2] =	stream.linear.gather [hbm4b:s9+s2], $0x80, $0x38;
	[tilespmem:$0x4080] =	vst v63  }
0x5c: {  	_ =	swait.ge [sflag:s3], $0x80  }
0x5d: {  	[sflag:s3] =	ssyncset.done $0x0  }
0x5e: {  	[sflag:s3] =	ssyncadd.s32 $0xFFFFFF80  }
0x5f: {  	[tilespmem:s6], [sflag:$0x1] =	stream.indirect.gather [hbm4b:s5+s6], $0x80, s2, s6, $0xb8;
	[tilespmem:$0x4080] =	vst v63  }
0x60: {  	_ =	swait.ge [sflag:s7], $0x4000  }
0x61: {  	[sflag:s7] =	ssyncset.done $0x0  }
0x62: {  	[sflag:s7] =	ssyncadd.s32 $0xFFFFC000  }
0x63: {  	[hbm4b:s10+s2] =	stream.linear.scatter [tilespmem:s6], [sflag:$0x2], $0x4000, $0x38;
	[tilespmem:$0x4080] =	vst v63  }
0x64: {  	_ =	swait.ge [sflag:s3], $0x4000  }
0x65: {  	[sflag:s3] =	ssyncset.done $0x0  }
0x66: {  	[sflag:s3] =	ssyncadd.s32 $0xFFFFC000  }
0x67: {  	[tilespmem:s2], [sflag:$0x2] =	stream.linear.gather [hbm4b:s11+s2], $0x80, $0x38;
	[tilespmem:$0x4080] =	vst v63  }
0x68: {  	_ =	swait.ge [sflag:s3], $0x80  }
0x69: {  	[sflag:s3] =	ssyncset.done $0x0  }
0x6a: {  	[sflag:s3] =	ssyncadd.s32 $0xFFFFFF80  }
0x6b: {  	[tilespmem:s6], [sflag:$0x1] =	stream.indirect.gather [hbm4b:s5+s6], $0x80, s2, s6, $0xb8;
	[tilespmem:$0x4080] =	vst v63  }
0x6c: {  	_ =	swait.ge [sflag:s7], $0x4000  }
0x6d: {  	[sflag:s7] =	ssyncset.done $0x0  }
0x6e: {  	[sflag:s7] =	ssyncadd.s32 $0xFFFFC000  }
0x6f: {  	[hbm4b:s12+s2] =	stream.linear.scatter [tilespmem:s6], [sflag:$0x2], $0x4000, $0x38;
	[tilespmem:$0x4080] =	vst v63  }
0x70: {  	_ =	swait.ge [sflag:s3], $0x4000  }
0x71: {  	[sflag:s3] =	ssyncset.done $0x0  }
0x72: {  	[sflag:s3] =	ssyncadd.s32 $0xFFFFC000  }
0x73: {  	[tilespmem:s2], [sflag:$0x2] =	stream.linear.gather [hbm4b:s13+s2], $0x80, $0x38;
	[tilespmem:$0x4080] =	vst v63  }
0x74: {  	_ =	swait.ge [sflag:s3], $0x80  }
0x75: {  	[sflag:s3] =	ssyncset.done $0x0  }
0x76: {  	[sflag:s3] =	ssyncadd.s32 $0xFFFFFF80  }
0x77: {  	[tilespmem:s6], [sflag:$0x1] =	stream.indirect.gather [hbm4b:s5+s6], $0x80, s2, s6, $0xb8;
	[tilespmem:$0x4080] =	vst v63  }
0x78: {  	_ =	swait.ge [sflag:s7], $0x4000  }
0x79: {  	[sflag:s7] =	ssyncset.done $0x0  }
0x7a: {  	[sflag:s7] =	ssyncadd.s32 $0xFFFFC000  }
0x7b: {  	[hbm4b:s14+s2] =	stream.linear.scatter [tilespmem:s6], [sflag:$0x2], $0x4000, $0x38;
	[tilespmem:$0x4080] =	vst v63  }
0x7c: {  	_ =	swait.ge [sflag:s3], $0x4000  }
0x7d: {  	[sflag:s3] =	ssyncset.done $0x0  }
0x7e: {  	[sflag:s3] =	ssyncadd.s32 $0xFFFFC000  }
0x7f: {  	[tilespmem:s2], [sflag:$0x2] =	stream.linear.gather [hbm4b:s15+s2], $0x80, $0x38;
	[tilespmem:$0x4080] =	vst v63  }
0x80: {  	_ =	swait.ge [sflag:s3], $0x80  }
0x81: {  	[sflag:s3] =	ssyncset.done $0x0  }
0x82: {  	[sflag:s3] =	ssyncadd.s32 $0xFFFFFF80  }
0x83: {  	[tilespmem:s6], [sflag:$0x1] =	stream.indirect.gather [hbm4b:s5+s6], $0x80, s2, s6, $0xb8;
	[tilespmem:$0x4080] =	vst v63  }
0x84: {  	_ =	swait.ge [sflag:s7], $0x4000  }
0x85: {  	[sflag:s7] =	ssyncset.done $0x0  }
0x86: {  	[sflag:s7] =	ssyncadd.s32 $0xFFFFC000  }
0x87: {  	[hbm4b:s16+s2] =	stream.linear.scatter [tilespmem:s6], [sflag:$0x2], $0x4000, $0x38;
	[tilespmem:$0x4080] =	vst v63  }
0x88: {  	_ =	swait.ge [sflag:s3], $0x4000  }
0x89: {  	[sflag:s3] =	ssyncset.done $0x0  }
0x8a: {  	[sflag:s3] =	ssyncadd.s32 $0xFFFFC000  }
0x8b: {  	[tilespmem:s2], [sflag:$0x2] =	stream.linear.gather [hbm4b:s17+s2], $0x80, $0x38;
	[tilespmem:$0x4080] =	vst v63  }
0x8c: {  	_ =	swait.ge [sflag:s3], $0x80  }
0x8d: {  	[sflag:s3] =	ssyncset.done $0x0  }
0x8e: {  	[sflag:s3] =	ssyncadd.s32 $0xFFFFFF80  }
0x8f: {  	[tilespmem:s6], [sflag:$0x1] =	stream.indirect.gather [hbm4b:s5+s6], $0x80, s2, s6, $0xb8;
	[tilespmem:$0x4080] =	vst v63  }
0x90: {  	_ =	swait.ge [sflag:s7], $0x4000  }
.Ltmp1:
0x91: {  	[sflag:s7] =	ssyncset.done $0x0;
	(pc) =	sbr.rel @p0 .LBB2_1-.Ltmp1, $4  }
0x92: {  	[sflag:s7] =	ssyncadd.s32 $0xFFFFC000  }
0x93: {  	[hbm4b:s18+s2] =	stream.linear.scatter [tilespmem:s6], [sflag:$0x2], $0x4000, $0x38;
	[tilespmem:$0x4080] =	vst v63  }
0x94: {  	_ =	swait.ge [sflag:s3], $0x4000  }
0x95: {  	[sflag:s3] =	ssyncset.done $0x0  }
.LBB2_2:
0x96: {  	[sflag:s3] =	ssyncadd.s32 $0xFFFFC000  }
0x97: {  	_ =	sfence.sel $0x180000  }
0x98: {  	[bflag:$0x0] =	sbarrier.arrive $0xFFFF  }
0x99: {  	p0 =	sne.s32 s0, $0x0;
	_ =	strace $0x90000047  }
0x9a: {  	s0 =	sadd.s32 @!p0 $0x100000, s1;
	[bflag:$0x2] =	sbarrier.arrive $0xFFFF  }
0x9b: {  	[sflag:s0] =	ssyncadd.tile.s32 @!p0 $0x1;
	_ =	shalt  }
.Lfunc_end2:
_tile_overlayer_lowered:
.L_overlay_start_2:
0x9c: {  	(tag) =	ssettag $0x2  }
0x9d: {  	s0 =	rddreg [dreg:$0x0];
	s2 =	stileid.u32  }
0x9e: {  	s1 =	rddreg [dreg:$0x1];
	p0 =	sne.s32 s2, $0x0  }
0x9f: {  	s3 =	rddreg [dreg:$0x2];
	[bflag:$0x3] =	sbarrier.arrive $0xFFFF;
	s2 =	simm.s32 @!p0 $0x1C02  }
0xa0: {  	[timem:s3], [sflag:s2] =	dma.local @!p0 [hbm:s0], s1  }
0xa1: {  	s0 =	simm.s32 @!p0 $0x2  }
0xa2: {  	_ =	swait.ge @!p0 [sflag:s0], s1  }
0xa3: {  	s1 =	ssub.s32 @!p0 $0x0, s1;
	[sflag:s0] =	ssyncset.done @!p0 $0x0  }
0xa4: {  	[sflag:s0] =	ssyncadd.s32 @!p0 s1  }
0xa5: {  	[bflag:$0x3] =	sbarrier.arrive $0xFFFF  }
0xa6: {  	_ =	shalt  }

// kernel: kernel.24.cloned.1.call-start
scs
__scs_entry_jumppad:
0x0: {  	(pc) =	sbr.rel $0x88, $3  }
0x1: {  	(tag) =	ssettag $0x0;
	lr =	simm.s32 $0x1  }
0x2: {  	[smem:$0x3F9A] =	sst lr;
	_ =	strace $0xD0000000  }
0x3: {  	_ = 	snop  }
0x4: {  	_ = 	snop  }
0x5: {  	_ = 	snop  }
0x6: {  	_ = 	snop  }
0x7: {  	_ = 	snop  }
__scs_overlays_trampoline_lowered:
0x8: {  	[smem:$0x3FA9] =	sst s0  }
0x9: {  	[smem:$0x3FAA] =	sst s1  }
0xa: {  	[smem:$0x3FAB] =	sst s2  }
0xb: {  	[smem:$0x3FAC] =	sst s3  }
0xc: {  	[smem:$0x3FAD] =	sst s4  }
0xd: {  	[smem:$0x3FAE] =	sst s5  }
0xe: {  	[smem:$0x3FAF] =	sst s6  }
0xf: {  	[smem:$0x3FB0] =	sst s7  }
0x10: {  	[smem:$0x3FB1] =	sst s8  }
0x11: {  	[smem:$0x3FB2] =	sst s9;
	s0 =	simm.s32 @!p0 $0x0  }
0x12: {  	s1 =	sld [smem:$0x3F98];
	s0 =	simm.s32 @p0 $0x1  }
0x13: {  	[smem:$0x3FB3] =	sst s0;
	s0 =	simm.s32 @!p1 $0x0  }
0x14: {  	s2 =	sld [smem:$0x3F97];
	s0 =	simm.s32 @p1 $0x1  }
0x15: {  	[smem:$0x3FB4] =	sst s0;
	s0 =	simm.s32 @!p2 $0x0  }
0x16: {  	s3 =	sld [smem:$0x3FDB];
	s0 =	simm.s32 @p2 $0x1  }
0x17: {  	s4 =	simm.s32 $0x1BF5;
	[smem:$0x3FB6] =	sst s0  }
0x18: {  	s0 =	sld [smem:$0x3F99];
	_ =	swait.ge [sflag:s4], $0x0  }
0x19: {  	s7 =	sld [smem:$0x3F9A]  }
0x1a: {  	s8 =	sadd.s32 $0xFFFFE003, lr  }
0x1b: {  	s9 =	sadd.s32 $0xFFFFFEF7, lr;
	s5 =	simm.s32 $0xFFFFFFFF;
	p2 =	slt.u32 s8, $0xFFFFF086  }
0x1c: {  	p1 =	slt.u32 s9, $0xF7A;
	s5 =	simm.s32 @!p2 $0x0  }
0x1d: {  	s5 =	simm.s32 @p1 $0x1;
	p0 =	seq.s32 s7, s2  }
0x1e: {  	s7 =	smul.u32 @!p0 $0xF7A, s2;
	p2 =	seq.s32 @!p0 s5, $0x0  }
0x1f: {  	s9 =	smul.u32 $0xF7A, s1;
	s8 =	simm.s32 @!p0 $0x1BF5;
	p2 =	por !p2, p0  }
0x20: {  	[sflag:s8] =	ssyncset.s32 @!p0 $0xFFFFF086;
	s6 =	sadd.s32 @!p0 s3, s7;
	s7 =	simm.s32 @!p0 $0x108  }
0x21: {  	s3 =	sadd.s32 s3, s9;
	s6 =	sadd.s32 @!p0 $0x88, s6;
	s7 =	simm.s32 @p2 $0x1082  }
0x22: {  	[simem:s7], [sflag:s8] =	dma.local @!p0 [hbm:s6], $0xF7A  }
0x23: {  	s9 =	sor.u32 $0xD0000000, s2;
	s6 =	simm.s32 $0x108;
	_ =	swait.ge @!p0 [sflag:s8], $0x0  }
0x24: {  	s3 =	sadd.s32 $0x88, s3;
	s6 =	simm.s32 @!p1 $0x1082;
	[sflag:s4] =	ssyncset.s32 $0xFFFFF086  }
0x25: {  	[simem:s6], [sflag:s4] =	dma.local [hbm:s3], $0xF7A  }
0x26: {  	[smem:$0x3F9A] =	sst s1;
	(tag) =	ssettag s2;
	_ =	strace s9  }
0x27: {  	s1 =	sld [smem:$0x3FAA]  }
0x28: {  	s2 =	sld [smem:$0x3FAB]  }
0x29: {  	s4 =	sld [smem:$0x3FAD]  }
0x2a: {  	p0 =	seq.s32 s5, $0x0;
	s5 =	sld [smem:$0x3FAE]  }
0x2b: {  	s6 =	sld [smem:$0x3FAF]  }
0x2c: {  	s7 =	sld [smem:$0x3FB0]  }
0x2d: {  	s3 =	simm.s32 $0x108;
	s8 =	sld [smem:$0x3FB1]  }
0x2e: {  	s3 =	simm.s32 @!p0 $0x1082;
	s9 =	sld [smem:$0x3FB2]  }
0x2f: {  	lr =	sadd.s32 s0, s3;
	s0 =	sld [smem:$0x3FA9]  }
0x30: {  	s3 =	sld [smem:$0x3FAC]  }
0x31: {  	[smem:$0x3FB5] =	sst s10  }
0x32: {  	s10 =	sld [smem:$0x3FB3];
	_ =	sdelay $0x3  }
0x33: {  	p0 =	seq.s32 s10, $0x1;
	s10 =	sld [smem:$0x3FB5];
	_ =	sdelay $0x3  }
0x34: {  	[smem:$0x3FB5] =	sst s10  }
0x35: {  	s10 =	sld [smem:$0x3FB4];
	_ =	sdelay $0x3  }
0x36: {  	p1 =	seq.s32 s10, $0x1;
	s10 =	sld [smem:$0x3FB5];
	_ =	sdelay $0x3  }
0x37: {  	[smem:$0x3FB5] =	sst s10  }
0x38: {  	s10 =	sld [smem:$0x3FB6]  }
0x39: {  	_ = 	snop;
	(pc) =	sbr.ind lr, $3  }
0x3a: {  	_ = 	snop  }
0x3b: {  	_ = 	snop  }
0x3c: {  	p2 =	seq.s32 s10, $0x1;
	s10 =	sld [smem:$0x3FB5]  }
0x3d: {  	_ =	shalt  }
0x3e: {  	_ =	shalt  }
0x3f: {  	_ =	shalt  }
0x40: {  	_ =	shalt  }
0x41: {  	_ =	shalt  }
0x42: {  	_ =	shalt  }
0x43: {  	_ =	shalt  }
0x44: {  	_ =	shalt  }
0x45: {  	_ =	shalt  }
0x46: {  	_ =	shalt  }
0x47: {  	_ =	shalt  }
0x48: {  	_ =	shalt  }
0x49: {  	_ =	shalt  }
0x4a: {  	_ =	shalt  }
0x4b: {  	_ =	shalt  }
0x4c: {  	_ =	shalt  }
0x4d: {  	_ =	shalt  }
0x4e: {  	_ =	shalt  }
0x4f: {  	_ =	shalt  }
0x50: {  	_ =	shalt  }
0x51: {  	_ =	shalt  }
0x52: {  	_ =	shalt  }
0x53: {  	_ =	shalt  }
0x54: {  	_ =	shalt  }
0x55: {  	_ =	shalt  }
0x56: {  	_ =	shalt  }
0x57: {  	_ =	shalt  }
0x58: {  	_ =	shalt  }
0x59: {  	_ =	shalt  }
0x5a: {  	_ =	shalt  }
0x5b: {  	_ =	shalt  }
0x5c: {  	_ =	shalt  }
0x5d: {  	_ =	shalt  }
0x5e: {  	_ =	shalt  }
0x5f: {  	_ =	shalt  }
0x60: {  	_ =	shalt  }
0x61: {  	_ =	shalt  }
0x62: {  	_ =	shalt  }
0x63: {  	_ =	shalt  }
0x64: {  	_ =	shalt  }
0x65: {  	_ =	shalt  }
0x66: {  	_ =	shalt  }
0x67: {  	_ =	shalt  }
0x68: {  	_ =	shalt  }
0x69: {  	_ =	shalt  }
0x6a: {  	_ =	shalt  }
0x6b: {  	_ =	shalt  }
0x6c: {  	_ =	shalt  }
0x6d: {  	_ =	shalt  }
0x6e: {  	_ =	shalt  }
0x6f: {  	_ =	shalt  }
0x70: {  	_ =	shalt  }
0x71: {  	_ =	shalt  }
0x72: {  	_ =	shalt  }
0x73: {  	_ =	shalt  }
0x74: {  	_ =	shalt  }
0x75: {  	_ =	shalt  }
0x76: {  	_ =	shalt  }
0x77: {  	_ =	shalt  }
0x78: {  	_ =	shalt  }
0x79: {  	_ =	shalt  }
0x7a: {  	_ =	shalt  }
0x7b: {  	_ =	shalt  }
0x7c: {  	_ =	shalt  }
0x7d: {  	_ =	shalt  }
0x7e: {  	_ =	shalt  }
0x7f: {  	_ =	shalt  }
0x80: {  	_ =	shalt  }
0x81: {  	_ =	shalt  }
0x82: {  	_ =	shalt  }
0x83: {  	_ =	shalt  }
0x84: {  	_ =	shalt  }
0x85: {  	_ =	shalt  }
0x86: {  	_ =	shalt  }
0x87: {  	_ =	shalt  }
.Lfunc_end0:
.L_simem_size_0:
called_computation.2_lowered:
.L_overlay_start_0:
0x88: {  	s2 =	sld [smem:$0x3FD9]  }
0x89: {  	s3 =	sld [smem:$0x3FFE];
	_ =	sdelay $0x1  }
0x8a: {  	s1 =	srdreg.scid  }
0x8b: {  	s0 =	sand.u32 $0x1, s1  }
0x8c: {  	s17 =	sshll.u32 s0, $0xA;
	s2 =	sadd.s32 s3, s2  }
0x8d: {  	s2 =	sadd.s32 s2, s17  }
0x8e: {  	[smem:$0x3FC1] =	sst s2  }
0x8f: {  	_ = 	snop  }
0x90: {  	(tm) =	ssettm $0x1  }
0x91: {  	s18 =	sld [smem:$0x3FFB];
	_ =	sdelay $0x3  }
0x92: {  	_ =	strace s18  }
0x93: {  	s2 =	sld [smem:$0x3FFC];
	_ =	sdelay $0x3  }
0x94: {  	_ =	strace s2  }
0x95: {  	s2 =	sld [smem:$0x3FFD];
	_ =	sdelay $0x3  }
0x96: {  	_ =	strace s2  }
0x97: {  	_ =	strace $0x8FFFFFFF  }
0x98: {  	s19 =	sld [smem:$0x3FDB];
	_ =	sdelay $0x1  }
0x99: {  	s20 =	simm.s32 $_scs_section_size  }
0x9a: {  	s4 =	simm.s32 $_size__tile_overlayer_lowered;
	s5 =	simm.s32 $_tile_overlayer_lowered  }
0x9b: {  	s6 =	simm.s32 $0x1BFF;
	s21 =	sshll.u32 s5, $0x1;
	s3 =	sadd.s32 s20, s19  }
0x9c: {  	s22 =	simm.s32 $0x0;
	s4 =	sshll.u32 s4, $0x1;
	s5 =	sadd.s32 s21, s3  }
0x9d: {  	[timem:s22], [sflag:s6] =	dma.local [hbm:s5], s4  }
0x9e: {  	_ =	swait.ge [sflag:s6], s4  }
0x9f: {  	s4 =	ssub.s32 $0x0, s4;
	[sflag:s6] =	ssyncset.done $0x0  }
0xa0: {  	[sflag:s6] =	ssyncadd.s32 s4;
	_ =	sdelay $0x1  }
0xa1: {  	s23 =	simm.s32 $0x1B8B  }
0xa2: {  	_ =	swait.ge [sflag:s23], $0x1  }
0xa3: {  	[sflag:s23] =	ssyncset.done $0x0  }
0xa4: {  	[sflag:s23] =	ssyncadd.s32 $0xFFFFFFFF  }
0xa5: {  	s4 =	sld [smem:$0x0]  }
0xa6: {  	s5 =	sand.u32 $0xFFFFFFFE, s1  }
0xa7: {  	p0 =	sne.s32 s1, s5  }
0xa8: {  	s5 =	sshll.u32 @p0 s5, $0xE  }
0xa9: {  	s5 =	sadd.s32 @p0 $0x11B8D, s5;
	s6 =	sshll.u32 @p0 s4, $0x11  }
0xaa: {  	s5 =	sor.u32 @p0 s6, s5  }
0xab: {  	[sflag:s5] =	ssyncadd.remote.s32 @p0 $0x1;
	_ =	sdelay $0x1  }
0xac: {  	s5 =	simm.s32 @p0 $0x1B8D  }
0xad: {  	_ =	swait.eq @p0 [sflag:s5], $0x1  }
0xae: {  	[sflag:s5] =	ssyncadd.s32 @p0 $0xFFFFFFFF  }
0xaf: {  	s6 =	sshll.u32 @!p0 s1, $0xE  }
0xb0: {  	s6 =	sor.u32 @!p0 $0x4000, s6;
	s5 =	simm.s32 @!p0 $0x1B8D  }
0xb1: {  	s4 =	sshll.u32 @!p0 s4, $0x11;
	s6 =	sadd.s32 @!p0 $0x11B8D, s6;
	_ =	swait.eq @!p0 [sflag:s5], $0x1  }
0xb2: {  	s4 =	sor.u32 @!p0 s4, s6;
	[sflag:s5] =	ssyncadd.s32 @!p0 $0xFFFFFFFF  }
0xb3: {  	s25 =	simm.s32 $0x1B8E;
	s24 =	sld [smem:$0x3FFE];
	[sflag:s4] =	ssyncadd.remote.s32 @!p0 $0x1  }
0xb4: {  	s26 =	simm.s32 $execute0_lowered;
	[smem:$0x3FD2] =	sst s25  }
0xb5: {  	s5 =	sshll.u32 s26, $0x1;
	_ =	strace $0x8000004C;
	[dreg:$0x1] =	wrdreg $0xFFFFFFFF  }
0xb6: {  	s28 =	simm.s32 $_size_execute0_lowered;
	s3 =	sadd.s32 s3, s5;
	[dreg:$0x0] =	wrdreg $0x0  }
0xb7: {  	s5 =	sshll.u32 s28, $0x1;
	[dreg:$0x2] =	wrdreg s3  }
0xb8: {  	[dreg:$0x3] =	wrdreg s5  }
0xb9: {  	[dreg:$0x4] =	wrdreg $0xC0  }
0xba: {  	_ =	task [dreg:s22], $0x5FFFF  }
0xbb: {  	[dreg:$0x1] =	wrdreg $0xFFFFFFFF  }
0xbc: {  	[dreg:$0x0] =	wrdreg $0x60  }
0xbd: {  	[dreg:$0x2] =	wrdreg s24  }
0xbe: {  	[dreg:$0x3] =	wrdreg $0xB  }
0xbf: {  	_ =	task.clear_ibuf [dreg:s22], $0x4FFFF;
	_ =	strace $0x9000004C  }
0xc0: {  	s29 =	simm.s32 $0xB;
	_ =	strace $0x8000004E  }
0xc1: {  	_ =	swait.ge [sflag:s29], $0x1  }
0xc2: {  	[sflag:s29] =	ssyncadd.s32 $0xFFFFFFFF  }
0xc3: {  	_ =	strace $0x9000004E  }
0xc4: {  	_ =	sfence  }
0xc5: {  	s30 =	sld [smem:$0x0];
	_ =	sdelay $0x2  }
0xc6: {  	s31 =	sshll.u32 s1, $0xD;
	s1 =	sshrl.u32 s1, $0x2  }
0xc7: {  	s4 =	sand.u32 $0x4000, s31;
	s1 =	sadd.s32 s1, s30  }
0xc8: {  	s0 =	sor.u32 s4, s0;
	s1 =	sshll.u32 s1, $0x11  }
0xc9: {  	s0 =	sor.u32 s1, s0  }
0xca: {  	s0 =	sadd.s32 $0x8F2B, s0  }
0xcb: {  	[sflag:s0] =	ssyncadd.remote.s32 $0x1  }
0xcc: {  	_ =	sfence.sel $0xFFFF  }
0xcd: {  	[dreg:$0x0] =	wrdreg $0xFFFFFFFF;
	(pc) =	sbr.abs _section_cstart, $3  }
0xce: {  	[dreg:$0x1] =	wrdreg $0xFFFFFFFF  }
0xcf: {  	_ =	task.clear_ibuf [dreg:s22], $0x2FFFF;
	_ =	strace $0x9FFFFFFF  }
0xd0: {  	(tm) =	ssettm $0x7FFFFFFF  }
0xd1: {  	_ =	shalt  }
tec
execute0_lowered:
.L_overlay_start_1:
0x0: {  	(tag) =	ssettag $0x1  }
0x1: {  	s1 =	srdreg.scid  }
0x2: {  	s0 =	stileid.u32;
	s18 =	sand.u32 $0x1, s1  }
0x3: {  	s8 =	rddreg [dreg:$0x0];
	s3 =	sshll.u32 s0, $0x9;
	s4 =	sshll.u32 s18, $0x8  }
0x4: {  	s2 =	simm.s32 $0x0;
	s1 =	rddreg [dreg:$0x1];
	s20 =	sor.u32 s4, s3  }
0x5: {  	[smem:$0x7FF] =	sst s2;
	s17 =	sadd.s32 $0x106000, s8;
	s3 =	sshrl.u32 s20, $0x3  }
0x6: {  	_ =	strace $0x8000004D;
	s4 =	sadd.s32 s17, s3;
	s3 =	simm.s32 $0x2  }
0x7: {  	[tilespmem:s2], [sflag:$0x2] =	stream.linear.gather [hbm4b:s4+s2], $0x80, $0x38;
	[tilespmem:$0x4080] =	vst v63  }
0x8: {  	_ =	swait.ge [sflag:s3], $0x80  }
0x9: {  	s6 =	simm.s32 $0x80;
	[sflag:s3] =	ssyncset.done $0x0  }
0xa: {  	s7 =	simm.s32 $0x1;
	s5 =	sadd.s32 $0x15400, s8;
	[sflag:s3] =	ssyncadd.s32 $0xFFFFFF80  }
0xb: {  	[tilespmem:s6], [sflag:$0x1] =	stream.indirect.gather [hbm4b:s5+s6], $0x80, s2, s6, $0xb8;
	[tilespmem:$0x4080] =	vst v63  }
0xc: {  	_ =	swait.ge [sflag:s7], $0x4000  }
0xd: {  	s19 =	sadd.s32 $0x106C00, s8;
	s28 =	sshll.u32 s20, $0x4;
	[sflag:s7] =	ssyncset.done $0x0  }
0xe: {  	s8 =	sadd.s32 s19, s28;
	[sflag:s7] =	ssyncadd.s32 $0xFFFFC000  }
0xf: {  	[hbm4b:s8+s2] =	stream.linear.scatter [tilespmem:s6], [sflag:$0x2], $0x4000, $0x38;
	[tilespmem:$0x4080] =	vst v63  }
0x10: {  	s10 =	sor.u32 $0x2000, s20;
	_ =	swait.ge [sflag:s3], $0x4000  }
0x11: {  	s9 =	sshrl.u32 s10, $0x3;
	[sflag:s3] =	ssyncset.done $0x0  }
0x12: {  	s9 =	sadd.s32 s17, s9;
	[sflag:s3] =	ssyncadd.s32 $0xFFFFC000  }
0x13: {  	[tilespmem:s2], [sflag:$0x2] =	stream.linear.gather [hbm4b:s9+s2], $0x80, $0x38;
	[tilespmem:$0x4080] =	vst v63  }
0x14: {  	_ =	swait.ge [sflag:s3], $0x80  }
0x15: {  	[sflag:s3] =	ssyncset.done $0x0  }
0x16: {  	[sflag:s3] =	ssyncadd.s32 $0xFFFFFF80  }
0x17: {  	[tilespmem:s6], [sflag:$0x1] =	stream.indirect.gather [hbm4b:s5+s6], $0x80, s2, s6, $0xb8;
	[tilespmem:$0x4080] =	vst v63  }
0x18: {  	_ =	swait.ge [sflag:s7], $0x4000  }
0x19: {  	s10 =	sshll.u32 s10, $0x4;
	[sflag:s7] =	ssyncset.done $0x0  }
0x1a: {  	s10 =	sadd.s32 s19, s10;
	[sflag:s7] =	ssyncadd.s32 $0xFFFFC000  }
0x1b: {  	[hbm4b:s10+s2] =	stream.linear.scatter [tilespmem:s6], [sflag:$0x2], $0x4000, $0x38;
	[tilespmem:$0x4080] =	vst v63  }
0x1c: {  	s12 =	sor.u32 $0x4000, s20;
	_ =	swait.ge [sflag:s3], $0x4000  }
0x1d: {  	s11 =	sshrl.u32 s12, $0x3;
	[sflag:s3] =	ssyncset.done $0x0  }
0x1e: {  	s11 =	sadd.s32 s17, s11;
	[sflag:s3] =	ssyncadd.s32 $0xFFFFC000  }
0x1f: {  	[tilespmem:s2], [sflag:$0x2] =	stream.linear.gather [hbm4b:s11+s2], $0x80, $0x38;
	[tilespmem:$0x4080] =	vst v63  }
0x20: {  	_ =	swait.ge [sflag:s3], $0x80  }
0x21: {  	[sflag:s3] =	ssyncset.done $0x0  }
0x22: {  	[sflag:s3] =	ssyncadd.s32 $0xFFFFFF80  }
0x23: {  	[tilespmem:s6], [sflag:$0x1] =	stream.indirect.gather [hbm4b:s5+s6], $0x80, s2, s6, $0xb8;
	[tilespmem:$0x4080] =	vst v63  }
0x24: {  	_ =	swait.ge [sflag:s7], $0x4000  }
0x25: {  	s12 =	sshll.u32 s12, $0x4;
	[sflag:s7] =	ssyncset.done $0x0  }
0x26: {  	s12 =	sadd.s32 s19, s12;
	[sflag:s7] =	ssyncadd.s32 $0xFFFFC000  }
0x27: {  	[hbm4b:s12+s2] =	stream.linear.scatter [tilespmem:s6], [sflag:$0x2], $0x4000, $0x38;
	[tilespmem:$0x4080] =	vst v63  }
0x28: {  	s14 =	sor.u32 $0x80, s20;
	_ =	swait.ge [sflag:s3], $0x4000  }
0x29: {  	s13 =	sshrl.u32 s14, $0x3;
	[sflag:s3] =	ssyncset.done $0x0  }
0x2a: {  	s13 =	sadd.s32 s17, s13;
	[sflag:s3] =	ssyncadd.s32 $0xFFFFC000  }
0x2b: {  	[tilespmem:s2], [sflag:$0x2] =	stream.linear.gather [hbm4b:s13+s2], $0x80, $0x38;
	[tilespmem:$0x4080] =	vst v63  }
0x2c: {  	_ =	swait.ge [sflag:s3], $0x80  }
0x2d: {  	[sflag:s3] =	ssyncset.done $0x0  }
0x2e: {  	[sflag:s3] =	ssyncadd.s32 $0xFFFFFF80  }
0x2f: {  	[tilespmem:s6], [sflag:$0x1] =	stream.indirect.gather [hbm4b:s5+s6], $0x80, s2, s6, $0xb8;
	[tilespmem:$0x4080] =	vst v63  }
0x30: {  	_ =	swait.ge [sflag:s7], $0x4000  }
0x31: {  	s14 =	sshll.u32 s14, $0x4;
	[sflag:s7] =	ssyncset.done $0x0  }
0x32: {  	s14 =	sadd.s32 s19, s14;
	[sflag:s7] =	ssyncadd.s32 $0xFFFFC000  }
0x33: {  	[hbm4b:s14+s2] =	stream.linear.scatter [tilespmem:s6], [sflag:$0x2], $0x4000, $0x38;
	[tilespmem:$0x4080] =	vst v63  }
0x34: {  	s16 =	sor.u32 $0x2080, s20;
	_ =	swait.ge [sflag:s3], $0x4000  }
0x35: {  	s15 =	sshrl.u32 s16, $0x3;
	[sflag:s3] =	ssyncset.done $0x0  }
0x36: {  	s15 =	sadd.s32 s17, s15;
	[sflag:s3] =	ssyncadd.s32 $0xFFFFC000  }
0x37: {  	[tilespmem:s2], [sflag:$0x2] =	stream.linear.gather [hbm4b:s15+s2], $0x80, $0x38;
	[tilespmem:$0x4080] =	vst v63  }
0x38: {  	_ =	swait.ge [sflag:s3], $0x80  }
0x39: {  	[sflag:s3] =	ssyncset.done $0x0  }
0x3a: {  	[sflag:s3] =	ssyncadd.s32 $0xFFFFFF80  }
0x3b: {  	[tilespmem:s6], [sflag:$0x1] =	stream.indirect.gather [hbm4b:s5+s6], $0x80, s2, s6, $0xb8;
	[tilespmem:$0x4080] =	vst v63  }
0x3c: {  	_ =	swait.ge [sflag:s7], $0x4000  }
0x3d: {  	s16 =	sshll.u32 s16, $0x4;
	[sflag:s7] =	ssyncset.done $0x0  }
0x3e: {  	s16 =	sadd.s32 s19, s16;
	[sflag:s7] =	ssyncadd.s32 $0xFFFFC000  }
0x3f: {  	[hbm4b:s16+s2] =	stream.linear.scatter [tilespmem:s6], [sflag:$0x2], $0x4000, $0x38;
	[tilespmem:$0x4080] =	vst v63  }
0x40: {  	s20 =	sor.u32 $0x4080, s20;
	_ =	swait.ge [sflag:s3], $0x4000  }
0x41: {  	s21 =	sshrl.u32 s20, $0x3;
	[sflag:s3] =	ssyncset.done $0x0  }
0x42: {  	s18 =	ssub.s32 $0x2, s18;
	s17 =	sadd.s32 s17, s21;
	[sflag:s3] =	ssyncadd.s32 $0xFFFFC000  }
0x43: {  	[tilespmem:s2], [sflag:$0x2] =	stream.linear.gather [hbm4b:s17+s2], $0x80, $0x38;
	[tilespmem:$0x4080] =	vst v63  }
0x44: {  	s29 =	sshrl.u32 s18, $0x1;
	_ =	swait.ge [sflag:s3], $0x80  }
0x45: {  	s21 =	ssub.s32 s18, s29;
	[sflag:s3] =	ssyncset.done $0x0  }
0x46: {  	s31 =	smax.u32 s21, $0x1;
	[sflag:s3] =	ssyncadd.s32 $0xFFFFFF80  }
0x47: {  	[tilespmem:s6], [sflag:$0x1] =	stream.indirect.gather [hbm4b:s5+s6], $0x80, s2, s6, $0xb8;
	[tilespmem:$0x4080] =	vst v63  }
0x48: {  	p0 =	sne.s32 s31, $0x1;
	_ =	swait.ge [sflag:s7], $0x4000  }
.Ltmp0:
0x49: {  	s30 =	sshll.u32 s20, $0x4;
	[sflag:s7] =	ssyncset.done $0x0;
	(pc) =	sbr.rel @!p0 .LBB2_2-.Ltmp0, $4  }
0x4a: {  	s18 =	sadd.s32 s19, s30;
	[sflag:s7] =	ssyncadd.s32 $0xFFFFC000  }
0x4b: {  	[hbm4b:s18+s2] =	stream.linear.scatter [tilespmem:s6], [sflag:$0x2], $0x4000, $0x38;
	[tilespmem:$0x4080] =	vst v63  }
0x4c: {  	_ =	swait.ge [sflag:s3], $0x4000  }
0x4d: {  	s19 =	sadd.s32 $0xFFFFFFFF, s31;
	[sflag:s3] =	ssyncset.done $0x0  }
.LBB2_1:
0x4e: {  	p0 =	sne.s32 s19, $0x1;
	s19 =	sadd.s32 $0xFFFFFFFF, s19;
	[sflag:s3] =	ssyncadd.s32 $0xFFFFC000  }
0x4f: {  	[tilespmem:s2], [sflag:$0x2] =	stream.linear.gather [hbm4b:s4+s2], $0x80, $0x38;
	[tilespmem:$0x4080] =	vst v63  }
0x50: {  	_ =	swait.ge [sflag:s3], $0x80  }
0x51: {  	[sflag:s3] =	ssyncset.done $0x0  }
0x52: {  	[sflag:s3] =	ssyncadd.s32 $0xFFFFFF80  }
0x53: {  	[tilespmem:s6], [sflag:$0x1] =	stream.indirect.gather [hbm4b:s5+s6], $0x80, s2, s6, $0xb8;
	[tilespmem:$0x4080] =	vst v63  }
0x54: {  	_ =	swait.ge [sflag:s7], $0x4000  }
0x55: {  	[sflag:s7] =	ssyncset.done $0x0  }
0x56: {  	[sflag:s7] =	ssyncadd.s32 $0xFFFFC000  }
0x57: {  	[hbm4b:s8+s2] =	stream.linear.scatter [tilespmem:s6], [sflag:$0x2], $0x4000, $0x38;
	[tilespmem:$0x4080] =	vst v63  }
0x58: {  	_ =	swait.ge [sflag:s3], $0x4000  }
0x59: {  	[sflag:s3] =	ssyncset.done $0x0  }
0x5a: {  	[sflag:s3] =	ssyncadd.s32 $0xFFFFC000  }
0x5b: {  	[tilespmem:s2], [sflag:$0x2] =	stream.linear.gather [hbm4b:s9+s2], $0x80, $0x38;
	[tilespmem:$0x4080] =	vst v63  }
0x5c: {  	_ =	swait.ge [sflag:s3], $0x80  }
0x5d: {  	[sflag:s3] =	ssyncset.done $0x0  }
0x5e: {  	[sflag:s3] =	ssyncadd.s32 $0xFFFFFF80  }
0x5f: {  	[tilespmem:s6], [sflag:$0x1] =	stream.indirect.gather [hbm4b:s5+s6], $0x80, s2, s6, $0xb8;
	[tilespmem:$0x4080] =	vst v63  }
0x60: {  	_ =	swait.ge [sflag:s7], $0x4000  }
0x61: {  	[sflag:s7] =	ssyncset.done $0x0  }
0x62: {  	[sflag:s7] =	ssyncadd.s32 $0xFFFFC000  }
0x63: {  	[hbm4b:s10+s2] =	stream.linear.scatter [tilespmem:s6], [sflag:$0x2], $0x4000, $0x38;
	[tilespmem:$0x4080] =	vst v63  }
0x64: {  	_ =	swait.ge [sflag:s3], $0x4000  }
0x65: {  	[sflag:s3] =	ssyncset.done $0x0  }
0x66: {  	[sflag:s3] =	ssyncadd.s32 $0xFFFFC000  }
0x67: {  	[tilespmem:s2], [sflag:$0x2] =	stream.linear.gather [hbm4b:s11+s2], $0x80, $0x38;
	[tilespmem:$0x4080] =	vst v63  }
0x68: {  	_ =	swait.ge [sflag:s3], $0x80  }
0x69: {  	[sflag:s3] =	ssyncset.done $0x0  }
0x6a: {  	[sflag:s3] =	ssyncadd.s32 $0xFFFFFF80  }
0x6b: {  	[tilespmem:s6], [sflag:$0x1] =	stream.indirect.gather [hbm4b:s5+s6], $0x80, s2, s6, $0xb8;
	[tilespmem:$0x4080] =	vst v63  }
0x6c: {  	_ =	swait.ge [sflag:s7], $0x4000  }
0x6d: {  	[sflag:s7] =	ssyncset.done $0x0  }
0x6e: {  	[sflag:s7] =	ssyncadd.s32 $0xFFFFC000  }
0x6f: {  	[hbm4b:s12+s2] =	stream.linear.scatter [tilespmem:s6], [sflag:$0x2], $0x4000, $0x38;
	[tilespmem:$0x4080] =	vst v63  }
0x70: {  	_ =	swait.ge [sflag:s3], $0x4000  }
0x71: {  	[sflag:s3] =	ssyncset.done $0x0  }
0x72: {  	[sflag:s3] =	ssyncadd.s32 $0xFFFFC000  }
0x73: {  	[tilespmem:s2], [sflag:$0x2] =	stream.linear.gather [hbm4b:s13+s2], $0x80, $0x38;
	[tilespmem:$0x4080] =	vst v63  }
0x74: {  	_ =	swait.ge [sflag:s3], $0x80  }
0x75: {  	[sflag:s3] =	ssyncset.done $0x0  }
0x76: {  	[sflag:s3] =	ssyncadd.s32 $0xFFFFFF80  }
0x77: {  	[tilespmem:s6], [sflag:$0x1] =	stream.indirect.gather [hbm4b:s5+s6], $0x80, s2, s6, $0xb8;
	[tilespmem:$0x4080] =	vst v63  }
0x78: {  	_ =	swait.ge [sflag:s7], $0x4000  }
0x79: {  	[sflag:s7] =	ssyncset.done $0x0  }
0x7a: {  	[sflag:s7] =	ssyncadd.s32 $0xFFFFC000  }
0x7b: {  	[hbm4b:s14+s2] =	stream.linear.scatter [tilespmem:s6], [sflag:$0x2], $0x4000, $0x38;
	[tilespmem:$0x4080] =	vst v63  }
0x7c: {  	_ =	swait.ge [sflag:s3], $0x4000  }
0x7d: {  	[sflag:s3] =	ssyncset.done $0x0  }
0x7e: {  	[sflag:s3] =	ssyncadd.s32 $0xFFFFC000  }
0x7f: {  	[tilespmem:s2], [sflag:$0x2] =	stream.linear.gather [hbm4b:s15+s2], $0x80, $0x38;
	[tilespmem:$0x4080] =	vst v63  }
0x80: {  	_ =	swait.ge [sflag:s3], $0x80  }
0x81: {  	[sflag:s3] =	ssyncset.done $0x0  }
0x82: {  	[sflag:s3] =	ssyncadd.s32 $0xFFFFFF80  }
0x83: {  	[tilespmem:s6], [sflag:$0x1] =	stream.indirect.gather [hbm4b:s5+s6], $0x80, s2, s6, $0xb8;
	[tilespmem:$0x4080] =	vst v63  }
0x84: {  	_ =	swait.ge [sflag:s7], $0x4000  }
0x85: {  	[sflag:s7] =	ssyncset.done $0x0  }
0x86: {  	[sflag:s7] =	ssyncadd.s32 $0xFFFFC000  }
0x87: {  	[hbm4b:s16+s2] =	stream.linear.scatter [tilespmem:s6], [sflag:$0x2], $0x4000, $0x38;
	[tilespmem:$0x4080] =	vst v63  }
0x88: {  	_ =	swait.ge [sflag:s3], $0x4000  }
0x89: {  	[sflag:s3] =	ssyncset.done $0x0  }
0x8a: {  	[sflag:s3] =	ssyncadd.s32 $0xFFFFC000  }
0x8b: {  	[tilespmem:s2], [sflag:$0x2] =	stream.linear.gather [hbm4b:s17+s2], $0x80, $0x38;
	[tilespmem:$0x4080] =	vst v63  }
0x8c: {  	_ =	swait.ge [sflag:s3], $0x80  }
0x8d: {  	[sflag:s3] =	ssyncset.done $0x0  }
0x8e: {  	[sflag:s3] =	ssyncadd.s32 $0xFFFFFF80  }
0x8f: {  	[tilespmem:s6], [sflag:$0x1] =	stream.indirect.gather [hbm4b:s5+s6], $0x80, s2, s6, $0xb8;
	[tilespmem:$0x4080] =	vst v63  }
0x90: {  	_ =	swait.ge [sflag:s7], $0x4000  }
.Ltmp1:
0x91: {  	[sflag:s7] =	ssyncset.done $0x0;
	(pc) =	sbr.rel @p0 .LBB2_1-.Ltmp1, $4  }
0x92: {  	[sflag:s7] =	ssyncadd.s32 $0xFFFFC000  }
0x93: {  	[hbm4b:s18+s2] =	stream.linear.scatter [tilespmem:s6], [sflag:$0x2], $0x4000, $0x38;
	[tilespmem:$0x4080] =	vst v63  }
0x94: {  	_ =	swait.ge [sflag:s3], $0x4000  }
0x95: {  	[sflag:s3] =	ssyncset.done $0x0  }
.LBB2_2:
0x96: {  	[sflag:s3] =	ssyncadd.s32 $0xFFFFC000  }
0x97: {  	_ =	sfence.sel $0x180000  }
0x98: {  	[bflag:$0x0] =	sbarrier.arrive $0xFFFF  }
0x99: {  	p0 =	sne.s32 s0, $0x0;
	_ =	strace $0x9000004D  }
0x9a: {  	s0 =	sadd.s32 @!p0 $0x100000, s1;
	[bflag:$0x2] =	sbarrier.arrive $0xFFFF  }
0x9b: {  	[sflag:s0] =	ssyncadd.tile.s32 @!p0 $0x1;
	_ =	shalt  }
.Lfunc_end2:
_tile_overlayer_lowered:
.L_overlay_start_2:
0x9c: {  	(tag) =	ssettag $0x2  }
0x9d: {  	s0 =	rddreg [dreg:$0x0];
	s2 =	stileid.u32  }
0x9e: {  	s1 =	rddreg [dreg:$0x1];
	p0 =	sne.s32 s2, $0x0  }
0x9f: {  	s3 =	rddreg [dreg:$0x2];
	[bflag:$0x3] =	sbarrier.arrive $0xFFFF;
	s2 =	simm.s32 @!p0 $0x1C02  }
0xa0: {  	[timem:s3], [sflag:s2] =	dma.local @!p0 [hbm:s0], s1  }
0xa1: {  	s0 =	simm.s32 @!p0 $0x2  }
0xa2: {  	_ =	swait.ge @!p0 [sflag:s0], s1  }
0xa3: {  	s1 =	ssub.s32 @!p0 $0x0, s1;
	[sflag:s0] =	ssyncset.done @!p0 $0x0  }
0xa4: {  	[sflag:s0] =	ssyncadd.s32 @!p0 s1  }
0xa5: {  	[bflag:$0x3] =	sbarrier.arrive $0xFFFF  }
0xa6: {  	_ =	shalt  }

// kernel: kernel.27.cloned.1.call-start
scs
__scs_entry_jumppad:
0x0: {  	(pc) =	sbr.rel $0x88, $3  }
0x1: {  	(tag) =	ssettag $0x0;
	lr =	simm.s32 $0x1  }
0x2: {  	[smem:$0x3F9A] =	sst lr;
	_ =	strace $0xD0000000  }
0x3: {  	_ = 	snop  }
0x4: {  	_ = 	snop  }
0x5: {  	_ = 	snop  }
0x6: {  	_ = 	snop  }
0x7: {  	_ = 	snop  }
__scs_overlays_trampoline_lowered:
0x8: {  	[smem:$0x3FA9] =	sst s0  }
0x9: {  	[smem:$0x3FAA] =	sst s1  }
0xa: {  	[smem:$0x3FAB] =	sst s2  }
0xb: {  	[smem:$0x3FAC] =	sst s3  }
0xc: {  	[smem:$0x3FAD] =	sst s4  }
0xd: {  	[smem:$0x3FAE] =	sst s5  }
0xe: {  	[smem:$0x3FAF] =	sst s6  }
0xf: {  	[smem:$0x3FB0] =	sst s7  }
0x10: {  	[smem:$0x3FB1] =	sst s8  }
0x11: {  	[smem:$0x3FB2] =	sst s9;
	s0 =	simm.s32 @!p0 $0x0  }
0x12: {  	s1 =	sld [smem:$0x3F98];
	s0 =	simm.s32 @p0 $0x1  }
0x13: {  	[smem:$0x3FB3] =	sst s0;
	s0 =	simm.s32 @!p1 $0x0  }
0x14: {  	s2 =	sld [smem:$0x3F97];
	s0 =	simm.s32 @p1 $0x1  }
0x15: {  	[smem:$0x3FB4] =	sst s0;
	s0 =	simm.s32 @!p2 $0x0  }
0x16: {  	s3 =	sld [smem:$0x3FDB];
	s0 =	simm.s32 @p2 $0x1  }
0x17: {  	s4 =	simm.s32 $0x1BF5;
	[smem:$0x3FB6] =	sst s0  }
0x18: {  	s0 =	sld [smem:$0x3F99];
	_ =	swait.ge [sflag:s4], $0x0  }
0x19: {  	s7 =	sld [smem:$0x3F9A]  }
0x1a: {  	s8 =	sadd.s32 $0xFFFFE003, lr  }
0x1b: {  	s9 =	sadd.s32 $0xFFFFFEF7, lr;
	s5 =	simm.s32 $0xFFFFFFFF;
	p2 =	slt.u32 s8, $0xFFFFF086  }
0x1c: {  	p1 =	slt.u32 s9, $0xF7A;
	s5 =	simm.s32 @!p2 $0x0  }
0x1d: {  	s5 =	simm.s32 @p1 $0x1;
	p0 =	seq.s32 s7, s2  }
0x1e: {  	s7 =	smul.u32 @!p0 $0xF7A, s2;
	p2 =	seq.s32 @!p0 s5, $0x0  }
0x1f: {  	s9 =	smul.u32 $0xF7A, s1;
	s8 =	simm.s32 @!p0 $0x1BF5;
	p2 =	por !p2, p0  }
0x20: {  	[sflag:s8] =	ssyncset.s32 @!p0 $0xFFFFF086;
	s6 =	sadd.s32 @!p0 s3, s7;
	s7 =	simm.s32 @!p0 $0x108  }
0x21: {  	s3 =	sadd.s32 s3, s9;
	s6 =	sadd.s32 @!p0 $0x88, s6;
	s7 =	simm.s32 @p2 $0x1082  }
0x22: {  	[simem:s7], [sflag:s8] =	dma.local @!p0 [hbm:s6], $0xF7A  }
0x23: {  	s9 =	sor.u32 $0xD0000000, s2;
	s6 =	simm.s32 $0x108;
	_ =	swait.ge @!p0 [sflag:s8], $0x0  }
0x24: {  	s3 =	sadd.s32 $0x88, s3;
	s6 =	simm.s32 @!p1 $0x1082;
	[sflag:s4] =	ssyncset.s32 $0xFFFFF086  }
0x25: {  	[simem:s6], [sflag:s4] =	dma.local [hbm:s3], $0xF7A  }
0x26: {  	[smem:$0x3F9A] =	sst s1;
	(tag) =	ssettag s2;
	_ =	strace s9  }
0x27: {  	s1 =	sld [smem:$0x3FAA]  }
0x28: {  	s2 =	sld [smem:$0x3FAB]  }
0x29: {  	s4 =	sld [smem:$0x3FAD]  }
0x2a: {  	p0 =	seq.s32 s5, $0x0;
	s5 =	sld [smem:$0x3FAE]  }
0x2b: {  	s6 =	sld [smem:$0x3FAF]  }
0x2c: {  	s7 =	sld [smem:$0x3FB0]  }
0x2d: {  	s3 =	simm.s32 $0x108;
	s8 =	sld [smem:$0x3FB1]  }
0x2e: {  	s3 =	simm.s32 @!p0 $0x1082;
	s9 =	sld [smem:$0x3FB2]  }
0x2f: {  	lr =	sadd.s32 s0, s3;
	s0 =	sld [smem:$0x3FA9]  }
0x30: {  	s3 =	sld [smem:$0x3FAC]  }
0x31: {  	[smem:$0x3FB5] =	sst s10  }
0x32: {  	s10 =	sld [smem:$0x3FB3];
	_ =	sdelay $0x3  }
0x33: {  	p0 =	seq.s32 s10, $0x1;
	s10 =	sld [smem:$0x3FB5];
	_ =	sdelay $0x3  }
0x34: {  	[smem:$0x3FB5] =	sst s10  }
0x35: {  	s10 =	sld [smem:$0x3FB4];
	_ =	sdelay $0x3  }
0x36: {  	p1 =	seq.s32 s10, $0x1;
	s10 =	sld [smem:$0x3FB5];
	_ =	sdelay $0x3  }
0x37: {  	[smem:$0x3FB5] =	sst s10  }
0x38: {  	s10 =	sld [smem:$0x3FB6]  }
0x39: {  	_ = 	snop;
	(pc) =	sbr.ind lr, $3  }
0x3a: {  	_ = 	snop  }
0x3b: {  	_ = 	snop  }
0x3c: {  	p2 =	seq.s32 s10, $0x1;
	s10 =	sld [smem:$0x3FB5]  }
0x3d: {  	_ =	shalt  }
0x3e: {  	_ =	shalt  }
0x3f: {  	_ =	shalt  }
0x40: {  	_ =	shalt  }
0x41: {  	_ =	shalt  }
0x42: {  	_ =	shalt  }
0x43: {  	_ =	shalt  }
0x44: {  	_ =	shalt  }
0x45: {  	_ =	shalt  }
0x46: {  	_ =	shalt  }
0x47: {  	_ =	shalt  }
0x48: {  	_ =	shalt  }
0x49: {  	_ =	shalt  }
0x4a: {  	_ =	shalt  }
0x4b: {  	_ =	shalt  }
0x4c: {  	_ =	shalt  }
0x4d: {  	_ =	shalt  }
0x4e: {  	_ =	shalt  }
0x4f: {  	_ =	shalt  }
0x50: {  	_ =	shalt  }
0x51: {  	_ =	shalt  }
0x52: {  	_ =	shalt  }
0x53: {  	_ =	shalt  }
0x54: {  	_ =	shalt  }
0x55: {  	_ =	shalt  }
0x56: {  	_ =	shalt  }
0x57: {  	_ =	shalt  }
0x58: {  	_ =	shalt  }
0x59: {  	_ =	shalt  }
0x5a: {  	_ =	shalt  }
0x5b: {  	_ =	shalt  }
0x5c: {  	_ =	shalt  }
0x5d: {  	_ =	shalt  }
0x5e: {  	_ =	shalt  }
0x5f: {  	_ =	shalt  }
0x60: {  	_ =	shalt  }
0x61: {  	_ =	shalt  }
0x62: {  	_ =	shalt  }
0x63: {  	_ =	shalt  }
0x64: {  	_ =	shalt  }
0x65: {  	_ =	shalt  }
0x66: {  	_ =	shalt  }
0x67: {  	_ =	shalt  }
0x68: {  	_ =	shalt  }
0x69: {  	_ =	shalt  }
0x6a: {  	_ =	shalt  }
0x6b: {  	_ =	shalt  }
0x6c: {  	_ =	shalt  }
0x6d: {  	_ =	shalt  }
0x6e: {  	_ =	shalt  }
0x6f: {  	_ =	shalt  }
0x70: {  	_ =	shalt  }
0x71: {  	_ =	shalt  }
0x72: {  	_ =	shalt  }
0x73: {  	_ =	shalt  }
0x74: {  	_ =	shalt  }
0x75: {  	_ =	shalt  }
0x76: {  	_ =	shalt  }
0x77: {  	_ =	shalt  }
0x78: {  	_ =	shalt  }
0x79: {  	_ =	shalt  }
0x7a: {  	_ =	shalt  }
0x7b: {  	_ =	shalt  }
0x7c: {  	_ =	shalt  }
0x7d: {  	_ =	shalt  }
0x7e: {  	_ =	shalt  }
0x7f: {  	_ =	shalt  }
0x80: {  	_ =	shalt  }
0x81: {  	_ =	shalt  }
0x82: {  	_ =	shalt  }
0x83: {  	_ =	shalt  }
0x84: {  	_ =	shalt  }
0x85: {  	_ =	shalt  }
0x86: {  	_ =	shalt  }
0x87: {  	_ =	shalt  }
.Lfunc_end0:
.L_simem_size_0:
called_computation.3_lowered:
.L_overlay_start_0:
0x88: {  	s2 =	sld [smem:$0x3FD9]  }
0x89: {  	s3 =	sld [smem:$0x3FFE];
	_ =	sdelay $0x1  }
0x8a: {  	s1 =	srdreg.scid  }
0x8b: {  	s0 =	sand.u32 $0x1, s1  }
0x8c: {  	s17 =	sshll.u32 s0, $0xA;
	s2 =	sadd.s32 s3, s2  }
0x8d: {  	s2 =	sadd.s32 s2, s17  }
0x8e: {  	[smem:$0x3FC1] =	sst s2  }
0x8f: {  	_ = 	snop  }
0x90: {  	(tm) =	ssettm $0x1  }
0x91: {  	s18 =	sld [smem:$0x3FFB];
	_ =	sdelay $0x3  }
0x92: {  	_ =	strace s18  }
0x93: {  	s2 =	sld [smem:$0x3FFC];
	_ =	sdelay $0x3  }
0x94: {  	_ =	strace s2  }
0x95: {  	s2 =	sld [smem:$0x3FFD];
	_ =	sdelay $0x3  }
0x96: {  	_ =	strace s2  }
0x97: {  	_ =	strace $0x8FFFFFFF  }
0x98: {  	s19 =	sld [smem:$0x3FDB];
	_ =	sdelay $0x1  }
0x99: {  	s20 =	simm.s32 $_scs_section_size  }
0x9a: {  	s4 =	simm.s32 $_size__tile_overlayer_lowered;
	s5 =	simm.s32 $_tile_overlayer_lowered  }
0x9b: {  	s6 =	simm.s32 $0x1BFF;
	s21 =	sshll.u32 s5, $0x1;
	s3 =	sadd.s32 s20, s19  }
0x9c: {  	s22 =	simm.s32 $0x0;
	s4 =	sshll.u32 s4, $0x1;
	s5 =	sadd.s32 s21, s3  }
0x9d: {  	[timem:s22], [sflag:s6] =	dma.local [hbm:s5], s4  }
0x9e: {  	_ =	swait.ge [sflag:s6], s4  }
0x9f: {  	s4 =	ssub.s32 $0x0, s4;
	[sflag:s6] =	ssyncset.done $0x0  }
0xa0: {  	[sflag:s6] =	ssyncadd.s32 s4;
	_ =	sdelay $0x1  }
0xa1: {  	s23 =	simm.s32 $0x1B8B  }
0xa2: {  	_ =	swait.ge [sflag:s23], $0x1  }
0xa3: {  	[sflag:s23] =	ssyncset.done $0x0  }
0xa4: {  	[sflag:s23] =	ssyncadd.s32 $0xFFFFFFFF  }
0xa5: {  	s4 =	sld [smem:$0x0]  }
0xa6: {  	s5 =	sand.u32 $0xFFFFFFFE, s1  }
0xa7: {  	p0 =	sne.s32 s1, s5  }
0xa8: {  	s5 =	sshll.u32 @p0 s5, $0xE  }
0xa9: {  	s5 =	sadd.s32 @p0 $0x11B8D, s5;
	s6 =	sshll.u32 @p0 s4, $0x11  }
0xaa: {  	s5 =	sor.u32 @p0 s6, s5  }
0xab: {  	[sflag:s5] =	ssyncadd.remote.s32 @p0 $0x1;
	_ =	sdelay $0x1  }
0xac: {  	s5 =	simm.s32 @p0 $0x1B8D  }
0xad: {  	_ =	swait.eq @p0 [sflag:s5], $0x1  }
0xae: {  	[sflag:s5] =	ssyncadd.s32 @p0 $0xFFFFFFFF  }
0xaf: {  	s6 =	sshll.u32 @!p0 s1, $0xE  }
0xb0: {  	s6 =	sor.u32 @!p0 $0x4000, s6;
	s5 =	simm.s32 @!p0 $0x1B8D  }
0xb1: {  	s4 =	sshll.u32 @!p0 s4, $0x11;
	s6 =	sadd.s32 @!p0 $0x11B8D, s6;
	_ =	swait.eq @!p0 [sflag:s5], $0x1  }
0xb2: {  	s4 =	sor.u32 @!p0 s4, s6;
	[sflag:s5] =	ssyncadd.s32 @!p0 $0xFFFFFFFF  }
0xb3: {  	s25 =	simm.s32 $0x1B8E;
	s24 =	sld [smem:$0x3FFE];
	[sflag:s4] =	ssyncadd.remote.s32 @!p0 $0x1  }
0xb4: {  	s26 =	simm.s32 $execute0_lowered;
	[smem:$0x3FD2] =	sst s25  }
0xb5: {  	s5 =	sshll.u32 s26, $0x1;
	_ =	strace $0x8000004F;
	[dreg:$0x1] =	wrdreg $0xFFFFFFFF  }
0xb6: {  	s28 =	simm.s32 $_size_execute0_lowered;
	s3 =	sadd.s32 s3, s5;
	[dreg:$0x0] =	wrdreg $0x0  }
0xb7: {  	s5 =	sshll.u32 s28, $0x1;
	[dreg:$0x2] =	wrdreg s3  }
0xb8: {  	[dreg:$0x3] =	wrdreg s5  }
0xb9: {  	[dreg:$0x4] =	wrdreg $0xC0  }
0xba: {  	_ =	task [dreg:s22], $0x5FFFF  }
0xbb: {  	[dreg:$0x1] =	wrdreg $0xFFFFFFFF  }
0xbc: {  	[dreg:$0x0] =	wrdreg $0x60  }
0xbd: {  	[dreg:$0x2] =	wrdreg s24  }
0xbe: {  	[dreg:$0x3] =	wrdreg $0xC  }
0xbf: {  	_ =	task.clear_ibuf [dreg:s22], $0x4FFFF;
	_ =	strace $0x9000004F  }
0xc0: {  	s29 =	simm.s32 $0xC;
	_ =	strace $0x80000051  }
0xc1: {  	_ =	swait.ge [sflag:s29], $0x1  }
0xc2: {  	[sflag:s29] =	ssyncadd.s32 $0xFFFFFFFF  }
0xc3: {  	_ =	strace $0x90000051  }
0xc4: {  	_ =	sfence  }
0xc5: {  	s30 =	sld [smem:$0x0];
	_ =	sdelay $0x2  }
0xc6: {  	s31 =	sshll.u32 s1, $0xD;
	s1 =	sshrl.u32 s1, $0x2  }
0xc7: {  	s4 =	sand.u32 $0x4000, s31;
	s1 =	sadd.s32 s1, s30  }
0xc8: {  	s0 =	sor.u32 s4, s0;
	s1 =	sshll.u32 s1, $0x11  }
0xc9: {  	s0 =	sor.u32 s1, s0  }
0xca: {  	s0 =	sadd.s32 $0x8F2B, s0  }
0xcb: {  	[sflag:s0] =	ssyncadd.remote.s32 $0x1  }
0xcc: {  	_ =	sfence.sel $0xFFFF  }
0xcd: {  	[dreg:$0x0] =	wrdreg $0xFFFFFFFF;
	(pc) =	sbr.abs _section_cstart, $3  }
0xce: {  	[dreg:$0x1] =	wrdreg $0xFFFFFFFF  }
0xcf: {  	_ =	task.clear_ibuf [dreg:s22], $0x2FFFF;
	_ =	strace $0x9FFFFFFF  }
0xd0: {  	(tm) =	ssettm $0x7FFFFFFF  }
0xd1: {  	_ =	shalt  }
tec
execute0_lowered:
.L_overlay_start_1:
0x0: {  	(tag) =	ssettag $0x1  }
0x1: {  	s1 =	srdreg.scid  }
0x2: {  	s0 =	stileid.u32;
	s18 =	sand.u32 $0x1, s1  }
0x3: {  	s8 =	rddreg [dreg:$0x0];
	s3 =	sshll.u32 s0, $0x9;
	s4 =	sshll.u32 s18, $0x8  }
0x4: {  	s2 =	simm.s32 $0x0;
	s1 =	rddreg [dreg:$0x1];
	s20 =	sor.u32 s4, s3  }
0x5: {  	[smem:$0x7FF] =	sst s2;
	s17 =	sadd.s32 $0x186C00, s8;
	s3 =	sshrl.u32 s20, $0x3  }
0x6: {  	_ =	strace $0x80000050;
	s4 =	sadd.s32 s17, s3;
	s3 =	simm.s32 $0x2  }
0x7: {  	[tilespmem:s2], [sflag:$0x2] =	stream.linear.gather [hbm4b:s4+s2], $0x80, $0x38;
	[tilespmem:$0x4080] =	vst v63  }
0x8: {  	_ =	swait.ge [sflag:s3], $0x80  }
0x9: {  	s6 =	simm.s32 $0x80;
	[sflag:s3] =	ssyncset.done $0x0  }
0xa: {  	s7 =	simm.s32 $0x1;
	s5 =	sadd.s32 $0x1D400, s8;
	[sflag:s3] =	ssyncadd.s32 $0xFFFFFF80  }
0xb: {  	[tilespmem:s6], [sflag:$0x1] =	stream.indirect.gather [hbm4b:s5+s6], $0x80, s2, s6, $0xb8;
	[tilespmem:$0x4080] =	vst v63  }
0xc: {  	_ =	swait.ge [sflag:s7], $0x4000  }
0xd: {  	s19 =	sadd.s32 $0x187800, s8;
	s28 =	sshll.u32 s20, $0x4;
	[sflag:s7] =	ssyncset.done $0x0  }
0xe: {  	s8 =	sadd.s32 s19, s28;
	[sflag:s7] =	ssyncadd.s32 $0xFFFFC000  }
0xf: {  	[hbm4b:s8+s2] =	stream.linear.scatter [tilespmem:s6], [sflag:$0x2], $0x4000, $0x38;
	[tilespmem:$0x4080] =	vst v63  }
0x10: {  	s10 =	sor.u32 $0x2000, s20;
	_ =	swait.ge [sflag:s3], $0x4000  }
0x11: {  	s9 =	sshrl.u32 s10, $0x3;
	[sflag:s3] =	ssyncset.done $0x0  }
0x12: {  	s9 =	sadd.s32 s17, s9;
	[sflag:s3] =	ssyncadd.s32 $0xFFFFC000  }
0x13: {  	[tilespmem:s2], [sflag:$0x2] =	stream.linear.gather [hbm4b:s9+s2], $0x80, $0x38;
	[tilespmem:$0x4080] =	vst v63  }
0x14: {  	_ =	swait.ge [sflag:s3], $0x80  }
0x15: {  	[sflag:s3] =	ssyncset.done $0x0  }
0x16: {  	[sflag:s3] =	ssyncadd.s32 $0xFFFFFF80  }
0x17: {  	[tilespmem:s6], [sflag:$0x1] =	stream.indirect.gather [hbm4b:s5+s6], $0x80, s2, s6, $0xb8;
	[tilespmem:$0x4080] =	vst v63  }
0x18: {  	_ =	swait.ge [sflag:s7], $0x4000  }
0x19: {  	s10 =	sshll.u32 s10, $0x4;
	[sflag:s7] =	ssyncset.done $0x0  }
0x1a: {  	s10 =	sadd.s32 s19, s10;
	[sflag:s7] =	ssyncadd.s32 $0xFFFFC000  }
0x1b: {  	[hbm4b:s10+s2] =	stream.linear.scatter [tilespmem:s6], [sflag:$0x2], $0x4000, $0x38;
	[tilespmem:$0x4080] =	vst v63  }
0x1c: {  	s12 =	sor.u32 $0x4000, s20;
	_ =	swait.ge [sflag:s3], $0x4000  }
0x1d: {  	s11 =	sshrl.u32 s12, $0x3;
	[sflag:s3] =	ssyncset.done $0x0  }
0x1e: {  	s11 =	sadd.s32 s17, s11;
	[sflag:s3] =	ssyncadd.s32 $0xFFFFC000  }
0x1f: {  	[tilespmem:s2], [sflag:$0x2] =	stream.linear.gather [hbm4b:s11+s2], $0x80, $0x38;
	[tilespmem:$0x4080] =	vst v63  }
0x20: {  	_ =	swait.ge [sflag:s3], $0x80  }
0x21: {  	[sflag:s3] =	ssyncset.done $0x0  }
0x22: {  	[sflag:s3] =	ssyncadd.s32 $0xFFFFFF80  }
0x23: {  	[tilespmem:s6], [sflag:$0x1] =	stream.indirect.gather [hbm4b:s5+s6], $0x80, s2, s6, $0xb8;
	[tilespmem:$0x4080] =	vst v63  }
0x24: {  	_ =	swait.ge [sflag:s7], $0x4000  }
0x25: {  	s12 =	sshll.u32 s12, $0x4;
	[sflag:s7] =	ssyncset.done $0x0  }
0x26: {  	s12 =	sadd.s32 s19, s12;
	[sflag:s7] =	ssyncadd.s32 $0xFFFFC000  }
0x27: {  	[hbm4b:s12+s2] =	stream.linear.scatter [tilespmem:s6], [sflag:$0x2], $0x4000, $0x38;
	[tilespmem:$0x4080] =	vst v63  }
0x28: {  	s14 =	sor.u32 $0x80, s20;
	_ =	swait.ge [sflag:s3], $0x4000  }
0x29: {  	s13 =	sshrl.u32 s14, $0x3;
	[sflag:s3] =	ssyncset.done $0x0  }
0x2a: {  	s13 =	sadd.s32 s17, s13;
	[sflag:s3] =	ssyncadd.s32 $0xFFFFC000  }
0x2b: {  	[tilespmem:s2], [sflag:$0x2] =	stream.linear.gather [hbm4b:s13+s2], $0x80, $0x38;
	[tilespmem:$0x4080] =	vst v63  }
0x2c: {  	_ =	swait.ge [sflag:s3], $0x80  }
0x2d: {  	[sflag:s3] =	ssyncset.done $0x0  }
0x2e: {  	[sflag:s3] =	ssyncadd.s32 $0xFFFFFF80  }
0x2f: {  	[tilespmem:s6], [sflag:$0x1] =	stream.indirect.gather [hbm4b:s5+s6], $0x80, s2, s6, $0xb8;
	[tilespmem:$0x4080] =	vst v63  }
0x30: {  	_ =	swait.ge [sflag:s7], $0x4000  }
0x31: {  	s14 =	sshll.u32 s14, $0x4;
	[sflag:s7] =	ssyncset.done $0x0  }
0x32: {  	s14 =	sadd.s32 s19, s14;
	[sflag:s7] =	ssyncadd.s32 $0xFFFFC000  }
0x33: {  	[hbm4b:s14+s2] =	stream.linear.scatter [tilespmem:s6], [sflag:$0x2], $0x4000, $0x38;
	[tilespmem:$0x4080] =	vst v63  }
0x34: {  	s16 =	sor.u32 $0x2080, s20;
	_ =	swait.ge [sflag:s3], $0x4000  }
0x35: {  	s15 =	sshrl.u32 s16, $0x3;
	[sflag:s3] =	ssyncset.done $0x0  }
0x36: {  	s15 =	sadd.s32 s17, s15;
	[sflag:s3] =	ssyncadd.s32 $0xFFFFC000  }
0x37: {  	[tilespmem:s2], [sflag:$0x2] =	stream.linear.gather [hbm4b:s15+s2], $0x80, $0x38;
	[tilespmem:$0x4080] =	vst v63  }
0x38: {  	_ =	swait.ge [sflag:s3], $0x80  }
0x39: {  	[sflag:s3] =	ssyncset.done $0x0  }
0x3a: {  	[sflag:s3] =	ssyncadd.s32 $0xFFFFFF80  }
0x3b: {  	[tilespmem:s6], [sflag:$0x1] =	stream.indirect.gather [hbm4b:s5+s6], $0x80, s2, s6, $0xb8;
	[tilespmem:$0x4080] =	vst v63  }
0x3c: {  	_ =	swait.ge [sflag:s7], $0x4000  }
0x3d: {  	s16 =	sshll.u32 s16, $0x4;
	[sflag:s7] =	ssyncset.done $0x0  }
0x3e: {  	s16 =	sadd.s32 s19, s16;
	[sflag:s7] =	ssyncadd.s32 $0xFFFFC000  }
0x3f: {  	[hbm4b:s16+s2] =	stream.linear.scatter [tilespmem:s6], [sflag:$0x2], $0x4000, $0x38;
	[tilespmem:$0x4080] =	vst v63  }
0x40: {  	s20 =	sor.u32 $0x4080, s20;
	_ =	swait.ge [sflag:s3], $0x4000  }
0x41: {  	s21 =	sshrl.u32 s20, $0x3;
	[sflag:s3] =	ssyncset.done $0x0  }
0x42: {  	s18 =	ssub.s32 $0x2, s18;
	s17 =	sadd.s32 s17, s21;
	[sflag:s3] =	ssyncadd.s32 $0xFFFFC000  }
0x43: {  	[tilespmem:s2], [sflag:$0x2] =	stream.linear.gather [hbm4b:s17+s2], $0x80, $0x38;
	[tilespmem:$0x4080] =	vst v63  }
0x44: {  	s29 =	sshrl.u32 s18, $0x1;
	_ =	swait.ge [sflag:s3], $0x80  }
0x45: {  	s21 =	ssub.s32 s18, s29;
	[sflag:s3] =	ssyncset.done $0x0  }
0x46: {  	s31 =	smax.u32 s21, $0x1;
	[sflag:s3] =	ssyncadd.s32 $0xFFFFFF80  }
0x47: {  	[tilespmem:s6], [sflag:$0x1] =	stream.indirect.gather [hbm4b:s5+s6], $0x80, s2, s6, $0xb8;
	[tilespmem:$0x4080] =	vst v63  }
0x48: {  	p0 =	sne.s32 s31, $0x1;
	_ =	swait.ge [sflag:s7], $0x4000  }
.Ltmp0:
0x49: {  	s30 =	sshll.u32 s20, $0x4;
	[sflag:s7] =	ssyncset.done $0x0;
	(pc) =	sbr.rel @!p0 .LBB2_2-.Ltmp0, $4  }
0x4a: {  	s18 =	sadd.s32 s19, s30;
	[sflag:s7] =	ssyncadd.s32 $0xFFFFC000  }
0x4b: {  	[hbm4b:s18+s2] =	stream.linear.scatter [tilespmem:s6], [sflag:$0x2], $0x4000, $0x38;
	[tilespmem:$0x4080] =	vst v63  }
0x4c: {  	_ =	swait.ge [sflag:s3], $0x4000  }
0x4d: {  	s19 =	sadd.s32 $0xFFFFFFFF, s31;
	[sflag:s3] =	ssyncset.done $0x0  }
.LBB2_1:
0x4e: {  	p0 =	sne.s32 s19, $0x1;
	s19 =	sadd.s32 $0xFFFFFFFF, s19;
	[sflag:s3] =	ssyncadd.s32 $0xFFFFC000  }
0x4f: {  	[tilespmem:s2], [sflag:$0x2] =	stream.linear.gather [hbm4b:s4+s2], $0x80, $0x38;
	[tilespmem:$0x4080] =	vst v63  }
0x50: {  	_ =	swait.ge [sflag:s3], $0x80  }
0x51: {  	[sflag:s3] =	ssyncset.done $0x0  }
0x52: {  	[sflag:s3] =	ssyncadd.s32 $0xFFFFFF80  }
0x53: {  	[tilespmem:s6], [sflag:$0x1] =	stream.indirect.gather [hbm4b:s5+s6], $0x80, s2, s6, $0xb8;
	[tilespmem:$0x4080] =	vst v63  }
0x54: {  	_ =	swait.ge [sflag:s7], $0x4000  }
0x55: {  	[sflag:s7] =	ssyncset.done $0x0  }
0x56: {  	[sflag:s7] =	ssyncadd.s32 $0xFFFFC000  }
0x57: {  	[hbm4b:s8+s2] =	stream.linear.scatter [tilespmem:s6], [sflag:$0x2], $0x4000, $0x38;
	[tilespmem:$0x4080] =	vst v63  }
0x58: {  	_ =	swait.ge [sflag:s3], $0x4000  }
0x59: {  	[sflag:s3] =	ssyncset.done $0x0  }
0x5a: {  	[sflag:s3] =	ssyncadd.s32 $0xFFFFC000  }
0x5b: {  	[tilespmem:s2], [sflag:$0x2] =	stream.linear.gather [hbm4b:s9+s2], $0x80, $0x38;
	[tilespmem:$0x4080] =	vst v63  }
0x5c: {  	_ =	swait.ge [sflag:s3], $0x80  }
0x5d: {  	[sflag:s3] =	ssyncset.done $0x0  }
0x5e: {  	[sflag:s3] =	ssyncadd.s32 $0xFFFFFF80  }
0x5f: {  	[tilespmem:s6], [sflag:$0x1] =	stream.indirect.gather [hbm4b:s5+s6], $0x80, s2, s6, $0xb8;
	[tilespmem:$0x4080] =	vst v63  }
0x60: {  	_ =	swait.ge [sflag:s7], $0x4000  }
0x61: {  	[sflag:s7] =	ssyncset.done $0x0  }
0x62: {  	[sflag:s7] =	ssyncadd.s32 $0xFFFFC000  }
0x63: {  	[hbm4b:s10+s2] =	stream.linear.scatter [tilespmem:s6], [sflag:$0x2], $0x4000, $0x38;
	[tilespmem:$0x4080] =	vst v63  }
0x64: {  	_ =	swait.ge [sflag:s3], $0x4000  }
0x65: {  	[sflag:s3] =	ssyncset.done $0x0  }
0x66: {  	[sflag:s3] =	ssyncadd.s32 $0xFFFFC000  }
0x67: {  	[tilespmem:s2], [sflag:$0x2] =	stream.linear.gather [hbm4b:s11+s2], $0x80, $0x38;
	[tilespmem:$0x4080] =	vst v63  }
0x68: {  	_ =	swait.ge [sflag:s3], $0x80  }
0x69: {  	[sflag:s3] =	ssyncset.done $0x0  }
0x6a: {  	[sflag:s3] =	ssyncadd.s32 $0xFFFFFF80  }
0x6b: {  	[tilespmem:s6], [sflag:$0x1] =	stream.indirect.gather [hbm4b:s5+s6], $0x80, s2, s6, $0xb8;
	[tilespmem:$0x4080] =	vst v63  }
0x6c: {  	_ =	swait.ge [sflag:s7], $0x4000  }
0x6d: {  	[sflag:s7] =	ssyncset.done $0x0  }
0x6e: {  	[sflag:s7] =	ssyncadd.s32 $0xFFFFC000  }
0x6f: {  	[hbm4b:s12+s2] =	stream.linear.scatter [tilespmem:s6], [sflag:$0x2], $0x4000, $0x38;
	[tilespmem:$0x4080] =	vst v63  }
0x70: {  	_ =	swait.ge [sflag:s3], $0x4000  }
0x71: {  	[sflag:s3] =	ssyncset.done $0x0  }
0x72: {  	[sflag:s3] =	ssyncadd.s32 $0xFFFFC000  }
0x73: {  	[tilespmem:s2], [sflag:$0x2] =	stream.linear.gather [hbm4b:s13+s2], $0x80, $0x38;
	[tilespmem:$0x4080] =	vst v63  }
0x74: {  	_ =	swait.ge [sflag:s3], $0x80  }
0x75: {  	[sflag:s3] =	ssyncset.done $0x0  }
0x76: {  	[sflag:s3] =	ssyncadd.s32 $0xFFFFFF80  }
0x77: {  	[tilespmem:s6], [sflag:$0x1] =	stream.indirect.gather [hbm4b:s5+s6], $0x80, s2, s6, $0xb8;
	[tilespmem:$0x4080] =	vst v63  }
0x78: {  	_ =	swait.ge [sflag:s7], $0x4000  }
0x79: {  	[sflag:s7] =	ssyncset.done $0x0  }
0x7a: {  	[sflag:s7] =	ssyncadd.s32 $0xFFFFC000  }
0x7b: {  	[hbm4b:s14+s2] =	stream.linear.scatter [tilespmem:s6], [sflag:$0x2], $0x4000, $0x38;
	[tilespmem:$0x4080] =	vst v63  }
0x7c: {  	_ =	swait.ge [sflag:s3], $0x4000  }
0x7d: {  	[sflag:s3] =	ssyncset.done $0x0  }
0x7e: {  	[sflag:s3] =	ssyncadd.s32 $0xFFFFC000  }
0x7f: {  	[tilespmem:s2], [sflag:$0x2] =	stream.linear.gather [hbm4b:s15+s2], $0x80, $0x38;
	[tilespmem:$0x4080] =	vst v63  }
0x80: {  	_ =	swait.ge [sflag:s3], $0x80  }
0x81: {  	[sflag:s3] =	ssyncset.done $0x0  }
0x82: {  	[sflag:s3] =	ssyncadd.s32 $0xFFFFFF80  }
0x83: {  	[tilespmem:s6], [sflag:$0x1] =	stream.indirect.gather [hbm4b:s5+s6], $0x80, s2, s6, $0xb8;
	[tilespmem:$0x4080] =	vst v63  }
0x84: {  	_ =	swait.ge [sflag:s7], $0x4000  }
0x85: {  	[sflag:s7] =	ssyncset.done $0x0  }
0x86: {  	[sflag:s7] =	ssyncadd.s32 $0xFFFFC000  }
0x87: {  	[hbm4b:s16+s2] =	stream.linear.scatter [tilespmem:s6], [sflag:$0x2], $0x4000, $0x38;
	[tilespmem:$0x4080] =	vst v63  }
0x88: {  	_ =	swait.ge [sflag:s3], $0x4000  }
0x89: {  	[sflag:s3] =	ssyncset.done $0x0  }
0x8a: {  	[sflag:s3] =	ssyncadd.s32 $0xFFFFC000  }
0x8b: {  	[tilespmem:s2], [sflag:$0x2] =	stream.linear.gather [hbm4b:s17+s2], $0x80, $0x38;
	[tilespmem:$0x4080] =	vst v63  }
0x8c: {  	_ =	swait.ge [sflag:s3], $0x80  }
0x8d: {  	[sflag:s3] =	ssyncset.done $0x0  }
0x8e: {  	[sflag:s3] =	ssyncadd.s32 $0xFFFFFF80  }
0x8f: {  	[tilespmem:s6], [sflag:$0x1] =	stream.indirect.gather [hbm4b:s5+s6], $0x80, s2, s6, $0xb8;
	[tilespmem:$0x4080] =	vst v63  }
0x90: {  	_ =	swait.ge [sflag:s7], $0x4000  }
.Ltmp1:
0x91: {  	[sflag:s7] =	ssyncset.done $0x0;
	(pc) =	sbr.rel @p0 .LBB2_1-.Ltmp1, $4  }
0x92: {  	[sflag:s7] =	ssyncadd.s32 $0xFFFFC000  }
0x93: {  	[hbm4b:s18+s2] =	stream.linear.scatter [tilespmem:s6], [sflag:$0x2], $0x4000, $0x38;
	[tilespmem:$0x4080] =	vst v63  }
0x94: {  	_ =	swait.ge [sflag:s3], $0x4000  }
0x95: {  	[sflag:s3] =	ssyncset.done $0x0  }
.LBB2_2:
0x96: {  	[sflag:s3] =	ssyncadd.s32 $0xFFFFC000  }
0x97: {  	_ =	sfence.sel $0x180000  }
0x98: {  	[bflag:$0x0] =	sbarrier.arrive $0xFFFF  }
0x99: {  	p0 =	sne.s32 s0, $0x0;
	_ =	strace $0x90000050  }
0x9a: {  	s0 =	sadd.s32 @!p0 $0x100000, s1;
	[bflag:$0x2] =	sbarrier.arrive $0xFFFF  }
0x9b: {  	[sflag:s0] =	ssyncadd.tile.s32 @!p0 $0x1;
	_ =	shalt  }
.Lfunc_end2:
_tile_overlayer_lowered:
.L_overlay_start_2:
0x9c: {  	(tag) =	ssettag $0x2  }
0x9d: {  	s0 =	rddreg [dreg:$0x0];
	s2 =	stileid.u32  }
0x9e: {  	s1 =	rddreg [dreg:$0x1];
	p0 =	sne.s32 s2, $0x0  }
0x9f: {  	s3 =	rddreg [dreg:$0x2];
	[bflag:$0x3] =	sbarrier.arrive $0xFFFF;
	s2 =	simm.s32 @!p0 $0x1C02  }
0xa0: {  	[timem:s3], [sflag:s2] =	dma.local @!p0 [hbm:s0], s1  }
0xa1: {  	s0 =	simm.s32 @!p0 $0x2  }
0xa2: {  	_ =	swait.ge @!p0 [sflag:s0], s1  }
0xa3: {  	s1 =	ssub.s32 @!p0 $0x0, s1;
	[sflag:s0] =	ssyncset.done @!p0 $0x0  }
0xa4: {  	[sflag:s0] =	ssyncadd.s32 @!p0 s1  }
0xa5: {  	[bflag:$0x3] =	sbarrier.arrive $0xFFFF  }
0xa6: {  	_ =	shalt  }

</sc_bundles>
